<compile_context>
chip_gen: v7x
topology: tpu7x:2x2x1
jax: 0.10.2.dev20260603
libtpu: 0.0.44.dev20260713+nightly
codegen_flags: <defaults>
</compile_context>

<pallas_src>
import jax
import jax.numpy as jnp
from jax import lax
from jax.experimental import pallas as pl
from jax.experimental.pallas import tpu as pltpu
from jax.experimental.pallas import tpu_sc as plsc

VOCAB = 1000000
D = 64
B = 4096
S = 200
N = B * S
C = 128
NC = 2
NS = 16
NW = NC * NS
CHUNKS = N // (NW * C)
PERIOD = 25
NBUF = 5
L = 16


def _body(table_hbm, pos_hbm, idx_hbm, pidx_hbm, out_hbm,
          idx_v, pidx_v, sidx_v, buf0, buf1, buf2, buf3, buf4, pos_sh,
          p0, p1, p2, p3, p4, g0, g1, g2, g3, g4, o0, o1, o2, o3, o4):
    bufs = (buf0, buf1, buf2, buf3, buf4)
    psems = (p0, p1, p2, p3, p4)
    gsems = (g0, g1, g2, g3, g4)
    osems = (o0, o1, o2, o3, o4)

    cid = lax.axis_index("c")
    sid = lax.axis_index("s")
    wid = sid * NC + cid
    base = wid * CHUNKS

    @pl.when(sid == 0)
    def _():
        pltpu.sync_copy(pos_hbm, pos_sh)

    pltpu.sync_copy(idx_hbm.at[pl.ds(base, CHUNKS)], idx_v)
    pltpu.sync_copy(pidx_hbm, pidx_v)
    plsc.subcore_barrier()

    def prefill(g, s):
        pat = lax.rem(g, PERIOD)
        return pltpu.make_async_copy(
            pos_hbm.at[pidx_v.at[pat]], bufs[s], psems[s])

    def gather(g, s):
        return pltpu.make_async_copy(
            table_hbm.at[idx_v.at[g]], bufs[s], gsems[s])

    def scatter(g, s):
        return pltpu.make_async_copy(
            bufs[s], out_hbm.at[sidx_v.at[s]], osems[s])

    def build_sidx(g, s):
        start = (base + g) * (2 * C)
        evens = lax.iota(jnp.int32, L) * 2
        for j in range(C // L):
            sidx_v[s, pl.ds(j * L, L)] = evens + (start + 2 * L * j)

    prefill(0, 0).start()

    def step(gg, carry):
        for s in range(NBUF):
            g = gg * NBUF + s
            sn = (s + 1) % NBUF
            sp = (s + NBUF - 1) % NBUF

            prefill(g, s).wait()
            gather(g, s).start(add=True)
            build_sidx(g, s)

            @pl.when(g >= NBUF - 1)
            def _():
                scatter(jnp.maximum(g - (NBUF - 1), 0), sn).wait()

            @pl.when(g + 1 <= CHUNKS - 1)
            def _():
                prefill(g + 1, sn).start()

            @pl.when(g >= 1)
            def _():
                gp = jnp.maximum(g - 1, 0)
                gather(gp, sp).wait()
                scatter(gp, sp).start()
        return carry

    lax.fori_loop(0, CHUNKS // NBUF, step, 0)

    last = CHUNKS - 1
    ls = last % NBUF
    gather(last, ls).wait()
    scatter(last, ls).start()
    for g in range(CHUNKS - NBUF + 1, CHUNKS):
        scatter(g, g % NBUF).wait()


def kernel(x, embedding_weight, positional_weight):
    table3 = embedding_weight[:, None, :]
    pos3 = positional_weight[:S][:, None, :]
    idx2 = (x.astype(jnp.int32) * 2).reshape(N // C, C)
    pidx = ((jnp.arange(PERIOD * C, dtype=jnp.int32) % S) * 2
            ).reshape(PERIOD, C)
    mesh = plsc.VectorSubcoreMesh(core_axis_name="c", subcore_axis_name="s")
    out = pl.kernel(
        _body,
        out_type=jax.ShapeDtypeStruct((N, 1, D), jnp.float32),
        mesh=mesh,
        scratch_types=[
            pltpu.VMEM((CHUNKS, C), jnp.int32),
            pltpu.VMEM((PERIOD, C), jnp.int32),
            pltpu.VMEM((NBUF, C), jnp.int32),
        ] + [pltpu.VMEM((C, 1, D), jnp.float32) for _ in range(NBUF)] + [
            pltpu.MemorySpace.VMEM_SHARED((S, 1, D), jnp.float32),
        ] + [pltpu.SemaphoreType.DMA for _ in range(3 * NBUF)],
    )(table3, pos3, idx2, pidx)
    return out.reshape(B, S, D)

# --- scband reference (transcript-rebuilt; emitter-appended) ---
"""Pipeline reference for scband-embedding-and-positional-vectorizer-20744692039796 (READ-ONLY COPY).

The authoritative reference and input builder live on the scoring server;
editing this copy changes nothing except your own understanding.
"""

import jax, jax.numpy as jnp
import numpy as np

VOCAB_SIZE = 1000000
MODEL_SIZE = 64
MAX_SEQ_LEN = 512
BATCH = 4096
SEQ_LEN = 200


def setup_inputs(seed: int = 0) -> dict:
    key = jax.random.key(seed)
    k_idx, k_emb, k_pos = jax.random.split(key, 3)
    x = jax.random.randint(k_idx, (BATCH, SEQ_LEN), 0, VOCAB_SIZE, dtype=jnp.int64 if jax.config.jax_enable_x64 else jnp.int32)
    embedding_weight = jax.random.normal(k_emb, (VOCAB_SIZE, MODEL_SIZE), dtype=jnp.float32)
    positional_weight = jax.random.normal(k_pos, (MAX_SEQ_LEN, MODEL_SIZE), dtype=jnp.float32)
    return {"x": x, "embedding_weight": embedding_weight, "positional_weight": positional_weight}


def reference(x, embedding_weight, positional_weight):
    b, s = x.shape
    positions = jnp.arange(s)
    pos_emb = jnp.take(positional_weight, positions, axis=0)  # [s, d]
    tok_emb = jnp.take(embedding_weight, x, axis=0)           # [b, s, d]
    out = tok_emb + pos_emb[None, :, :]
    # dropout p=0.0 -> identity
    return out

if __name__ == "__main__":
    import jax
    _d = setup_inputs()
    print(jax.jit(kernel)(*tuple(_d.values())))

</pallas_src>

<mosaic_0001>
#map = affine_map<(d0, d1) -> (0, 0, 0)>
#map1 = affine_map<(d0, d1) -> (0, 0)>
module attributes {stable_mosaic.version = 14 : i64} {
  func.func @_body(%arg0: i32, %arg1: i32, %arg2: memref<1000000x1x64xf32, #tpu.memory_space<hbm>>, %arg3: memref<200x1x64xf32, #tpu.memory_space<hbm>>, %arg4: memref<6400x128xi32, #tpu.memory_space<hbm>>, %arg5: memref<25x128xi32, #tpu.memory_space<hbm>>, %arg6: memref<819200x1x64xf32, #tpu.memory_space<hbm>>, %arg7: memref<200x128xi32, #tpu.memory_space<vmem>>, %arg8: memref<25x128xi32, #tpu.memory_space<vmem>>, %arg9: memref<5x128xi32, #tpu.memory_space<vmem>>, %arg10: memref<128x1x64xf32, #tpu.memory_space<vmem>>, %arg11: memref<128x1x64xf32, #tpu.memory_space<vmem>>, %arg12: memref<128x1x64xf32, #tpu.memory_space<vmem>>, %arg13: memref<128x1x64xf32, #tpu.memory_space<vmem>>, %arg14: memref<128x1x64xf32, #tpu.memory_space<vmem>>, %arg15: memref<200x1x64xf32, #tpu.memory_space<vmem_shared>>, %arg16: memref<!tpu.dma_semaphore, #tpu.memory_space<semaphore_mem>>, %arg17: memref<!tpu.dma_semaphore, #tpu.memory_space<semaphore_mem>>, %arg18: memref<!tpu.dma_semaphore, #tpu.memory_space<semaphore_mem>>, %arg19: memref<!tpu.dma_semaphore, #tpu.memory_space<semaphore_mem>>, %arg20: memref<!tpu.dma_semaphore, #tpu.memory_space<semaphore_mem>>, %arg21: memref<!tpu.dma_semaphore, #tpu.memory_space<semaphore_mem>>, %arg22: memref<!tpu.dma_semaphore, #tpu.memory_space<semaphore_mem>>, %arg23: memref<!tpu.dma_semaphore, #tpu.memory_space<semaphore_mem>>, %arg24: memref<!tpu.dma_semaphore, #tpu.memory_space<semaphore_mem>>, %arg25: memref<!tpu.dma_semaphore, #tpu.memory_space<semaphore_mem>>, %arg26: memref<!tpu.dma_semaphore, #tpu.memory_space<semaphore_mem>>, %arg27: memref<!tpu.dma_semaphore, #tpu.memory_space<semaphore_mem>>, %arg28: memref<!tpu.dma_semaphore, #tpu.memory_space<semaphore_mem>>, %arg29: memref<!tpu.dma_semaphore, #tpu.memory_space<semaphore_mem>>, %arg30: memref<!tpu.dma_semaphore, #tpu.memory_space<semaphore_mem>>) attributes {dimension_semantics = [#tpu.dimension_semantics<core_parallel>, #tpu.dimension_semantics<subcore_parallel>], iteration_bounds = array<i64: 2, 16>, scalar_prefetch = 0 : i64, scratch_operands = 24 : i64, tpu.core_type = #tpu.core_type<sc_vector_subcore>, window_params = [{transform_indices = #map}, {transform_indices = #map}, {transform_indices = #map1}, {transform_indices = #map1}, {transform_indices = #map}]} {
    %mul3A = arith.constant 2 : i32
    %mul3A_0 = arith.muli %arg1, %mul3A : i32
    %add3A = arith.addi %mul3A_0, %arg0 : i32
    %mul3A_1 = arith.constant 200 : i32
    %mul3A_2 = arith.muli %add3A, %mul3A_1 : i32
    %eq3A = arith.constant 0 : i32
    %eq3A_3 = arith.cmpi eq, %arg1, %eq3A : i32
    %convert_element_type3A = arith.extui %eq3A_3 : i1 to i32
    %cond3A = arith.constant 0 : i32
    %cond3A_4 = arith.cmpi ne, %convert_element_type3A, %cond3A : i32
    scf.if %cond3A_4 {
      "tpu.region"() ({
        %run_scoped3A = tpu.sem_alloc : memref<!tpu.dma_semaphore, #tpu.memory_space<semaphore_mem>>
        tpu.enqueue_dma source(%arg3 : memref<200x1x64xf32, #tpu.memory_space<hbm>>) target(%arg15 : memref<200x1x64xf32, #tpu.memory_space<vmem_shared>>) target_semaphore(%run_scoped3A : memref<!tpu.dma_semaphore, #tpu.memory_space<semaphore_mem>>)
        tpu.wait_dma2 semaphore(%run_scoped3A : memref<!tpu.dma_semaphore, #tpu.memory_space<semaphore_mem>>) src(%arg3 : memref<200x1x64xf32, #tpu.memory_space<hbm>>) dst(%arg15 : memref<200x1x64xf32, #tpu.memory_space<vmem_shared>>)
        tpu.yield
      }) : () -> ()
    } else {
    }
    "tpu.region"() ({
      %run_scoped3A = tpu.sem_alloc : memref<!tpu.dma_semaphore, #tpu.memory_space<semaphore_mem>>
      %dma_start3A_65 = arith.constant 0 : i32
      %dma_start3A_66 = tpu.memref_slice %arg4[%mul3A_2, %dma_start3A_65] : memref<6400x128xi32, #tpu.memory_space<hbm>> -> memref<200x128xi32, #tpu.memory_space<hbm>>
      %dma_start3A_67 = arith.constant 0 : i32
      %dma_start3A_68 = tpu.memref_slice %arg4[%mul3A_2, %dma_start3A_67] : memref<6400x128xi32, #tpu.memory_space<hbm>> -> memref<200x128xi32, #tpu.memory_space<hbm>>
      tpu.enqueue_dma source(%dma_start3A_68 : memref<200x128xi32, #tpu.memory_space<hbm>>) target(%arg7 : memref<200x128xi32, #tpu.memory_space<vmem>>) target_semaphore(%run_scoped3A : memref<!tpu.dma_semaphore, #tpu.memory_space<semaphore_mem>>)
      %dma_wait3A_69 = arith.constant 0 : i32
      %dma_wait3A_70 = tpu.memref_slice %arg4[%mul3A_2, %dma_wait3A_69] : memref<6400x128xi32, #tpu.memory_space<hbm>> -> memref<200x128xi32, #tpu.memory_space<hbm>>
      %dma_wait3A_71 = arith.constant 0 : i32
      %dma_wait3A_72 = tpu.memref_slice %arg4[%mul3A_2, %dma_wait3A_71] : memref<6400x128xi32, #tpu.memory_space<hbm>> -> memref<200x128xi32, #tpu.memory_space<hbm>>
      tpu.wait_dma2 semaphore(%run_scoped3A : memref<!tpu.dma_semaphore, #tpu.memory_space<semaphore_mem>>) src(%dma_wait3A_72 : memref<200x128xi32, #tpu.memory_space<hbm>>) dst(%arg7 : memref<200x128xi32, #tpu.memory_space<vmem>>)
      tpu.yield
    }) : () -> ()
    "tpu.region"() ({
      %run_scoped3A = tpu.sem_alloc : memref<!tpu.dma_semaphore, #tpu.memory_space<semaphore_mem>>
      tpu.enqueue_dma source(%arg5 : memref<25x128xi32, #tpu.memory_space<hbm>>) target(%arg8 : memref<25x128xi32, #tpu.memory_space<vmem>>) target_semaphore(%run_scoped3A : memref<!tpu.dma_semaphore, #tpu.memory_space<semaphore_mem>>)
      tpu.wait_dma2 semaphore(%run_scoped3A : memref<!tpu.dma_semaphore, #tpu.memory_space<semaphore_mem>>) src(%arg5 : memref<25x128xi32, #tpu.memory_space<hbm>>) dst(%arg8 : memref<25x128xi32, #tpu.memory_space<vmem>>)
      tpu.yield
    }) : () -> ()
    %barrier3A = arith.constant 0 : index
    tpu.barrier barrier_id(%barrier3A)
    %rem3A = arith.constant 0 : i32
    %rem3A_5 = arith.constant 25 : i32
    %rem3A_6 = arith.remsi %rem3A, %rem3A_5 : i32
    %dma_start3A = arith.constant 0 : i32
    %dma_start3A_7 = tpu.memref_slice %arg8[%rem3A_6, %dma_start3A] : memref<25x128xi32, #tpu.memory_space<vmem>> -> memref<1x128xi32, #tpu.memory_space<vmem>>
    %dma_start3A_8 = tpu.memref_squeeze %dma_start3A_7 : memref<1x128xi32, #tpu.memory_space<vmem>> -> memref<128xi32, #tpu.memory_space<vmem>>
    %dma_start3A_9 = arith.constant 0 : i32
    %dma_start3A_10 = arith.constant 0 : i32
    %dma_start3A_11 = arith.constant 0 : i32
    %dma_start3A_12 = tpu.memref_slice %arg3[%dma_start3A_9, %dma_start3A_10, %dma_start3A_11] : memref<200x1x64xf32, #tpu.memory_space<hbm>> -> memref<200x1x64xf32, #tpu.memory_space<hbm>>
    tpu.enqueue_indirect_dma source(%dma_start3A_12 : memref<200x1x64xf32, #tpu.memory_space<hbm>>) target(%arg10 : memref<128x1x64xf32, #tpu.memory_space<vmem>>) offsets(%dma_start3A_8 : memref<128xi32, #tpu.memory_space<vmem>>) semaphore(%arg16 : memref<!tpu.dma_semaphore, #tpu.memory_space<semaphore_mem>>)
    %scan3A = arith.constant 0 : i32
    %scan3A_13 = arith.constant 0 : i32
    %scan3A_14 = arith.constant 40 : i32
    %scan3A_15 = arith.addi %scan3A_13, %scan3A_14 : i32
    %scan3A_16 = arith.constant 1 : i32
    scf.for %scan3A_65 = %scan3A_13 to %scan3A_15 step %scan3A_16  : i32 {
      %mul3A_66 = arith.constant 5 : i32
      %mul3A_67 = arith.muli %scan3A_65, %mul3A_66 : i32
      %add3A_68 = arith.constant 0 : i32
      %add3A_69 = arith.addi %mul3A_67, %add3A_68 : i32
      %rem3A_70 = arith.constant 25 : i32
      %rem3A_71 = arith.remsi %add3A_69, %rem3A_70 : i32
      %dma_wait3A_72 = arith.constant 0 : i32
      %dma_wait3A_73 = tpu.memref_slice %arg8[%rem3A_71, %dma_wait3A_72] : memref<25x128xi32, #tpu.memory_space<vmem>> -> memref<1x128xi32, #tpu.memory_space<vmem>>
      %dma_wait3A_74 = tpu.memref_squeeze %dma_wait3A_73 : memref<1x128xi32, #tpu.memory_space<vmem>> -> memref<128xi32, #tpu.memory_space<vmem>>
      %dma_wait3A_75 = arith.constant 0 : i32
      %dma_wait3A_76 = arith.constant 0 : i32
      %dma_wait3A_77 = arith.constant 0 : i32
      %dma_wait3A_78 = tpu.memref_slice %arg3[%dma_wait3A_75, %dma_wait3A_76, %dma_wait3A_77] : memref<200x1x64xf32, #tpu.memory_space<hbm>> -> memref<200x1x64xf32, #tpu.memory_space<hbm>>
      tpu.wait_indirect_dma semaphore(%arg16 : memref<!tpu.dma_semaphore, #tpu.memory_space<semaphore_mem>>) src(%dma_wait3A_78 : memref<200x1x64xf32, #tpu.memory_space<hbm>>) dst(%arg10 : memref<128x1x64xf32, #tpu.memory_space<vmem>>)
      %dma_start3A_79 = arith.constant 0 : i32
      %dma_start3A_80 = tpu.memref_slice %arg7[%add3A_69, %dma_start3A_79] : memref<200x128xi32, #tpu.memory_space<vmem>> -> memref<1x128xi32, #tpu.memory_space<vmem>>
      %dma_start3A_81 = tpu.memref_squeeze %dma_start3A_80 : memref<1x128xi32, #tpu.memory_space<vmem>> -> memref<128xi32, #tpu.memory_space<vmem>>
      %dma_start3A_82 = arith.constant 0 : i32
      %dma_start3A_83 = arith.constant 0 : i32
      %dma_start3A_84 = arith.constant 0 : i32
      %dma_start3A_85 = tpu.memref_slice %arg2[%dma_start3A_82, %dma_start3A_83, %dma_start3A_84] : memref<1000000x1x64xf32, #tpu.memory_space<hbm>> -> memref<1000000x1x64xf32, #tpu.memory_space<hbm>>
      tpu.enqueue_indirect_dma source(%dma_start3A_85 : memref<1000000x1x64xf32, #tpu.memory_space<hbm>>) target(%arg10 : memref<128x1x64xf32, #tpu.memory_space<vmem>>) offsets(%dma_start3A_81 : memref<128xi32, #tpu.memory_space<vmem>>) semaphore(%arg21 : memref<!tpu.dma_semaphore, #tpu.memory_space<semaphore_mem>>) {add = true}
      %add3A_86 = arith.addi %mul3A_2, %add3A_69 : i32
      %mul3A_87 = arith.constant 256 : i32
      %mul3A_88 = arith.muli %add3A_86, %mul3A_87 : i32
      %iota3A = tpu.iota {dimensions = array<i32: 0>} : vector<16xi32>
      %mul3A_89 = arith.constant 2 : i32
      %mul3A_90 = vector.broadcast %mul3A_89 : i32 to vector<16xi32>
      %mul3A_91 = arith.muli %iota3A, %mul3A_90 : vector<16xi32>
      %add3A_92 = arith.constant 0 : i32
      %add3A_93 = arith.addi %mul3A_88, %add3A_92 : i32
      %add3A_94 = vector.broadcast %add3A_93 : i32 to vector<16xi32>
      %add3A_95 = arith.addi %mul3A_91, %add3A_94 : vector<16xi32>
      %swap3A = arith.constant 0 : i32
      %swap3A_96 = arith.index_cast %swap3A : i32 to index
      %swap3A_97 = arith.constant 0 : index
      %swap3A_98 = tpu.vector_load %arg9[%swap3A_96, %swap3A_97] {strides = array<i32>} : memref<5x128xi32, #tpu.memory_space<vmem>>, vector<1x16xi32>,
      %swap3A_99 = vector.shape_cast %swap3A_98 : vector<1x16xi32> to vector<16xi32>
      %swap3A_100 = vector.shape_cast %add3A_95 : vector<16xi32> to vector<1x16xi32>
      tpu.vector_store %arg9[%swap3A_96, %swap3A_97], %swap3A_100 {strides = array<i32>} : memref<5x128xi32, #tpu.memory_space<vmem>>, vector<1x16xi32>,
      %add3A_101 = arith.constant 32 : i32
      %add3A_102 = arith.addi %mul3A_88, %add3A_101 : i32
      %add3A_103 = vector.broadcast %add3A_102 : i32 to vector<16xi32>
      %add3A_104 = arith.addi %mul3A_91, %add3A_103 : vector<16xi32>
      %swap3A_105 = arith.constant 0 : i32
      %swap3A_106 = arith.index_cast %swap3A_105 : i32 to index
      %swap3A_107 = arith.constant 16 : index
      %swap3A_108 = tpu.vector_load %arg9[%swap3A_106, %swap3A_107] {strides = array<i32>} : memref<5x128xi32, #tpu.memory_space<vmem>>, vector<1x16xi32>,
      %swap3A_109 = vector.shape_cast %swap3A_108 : vector<1x16xi32> to vector<16xi32>
      %swap3A_110 = vector.shape_cast %add3A_104 : vector<16xi32> to vector<1x16xi32>
      tpu.vector_store %arg9[%swap3A_106, %swap3A_107], %swap3A_110 {strides = array<i32>} : memref<5x128xi32, #tpu.memory_space<vmem>>, vector<1x16xi32>,
      %add3A_111 = arith.constant 64 : i32
      %add3A_112 = arith.addi %mul3A_88, %add3A_111 : i32
      %add3A_113 = vector.broadcast %add3A_112 : i32 to vector<16xi32>
      %add3A_114 = arith.addi %mul3A_91, %add3A_113 : vector<16xi32>
      %swap3A_115 = arith.constant 0 : i32
      %swap3A_116 = arith.index_cast %swap3A_115 : i32 to index
      %swap3A_117 = arith.constant 32 : index
      %swap3A_118 = tpu.vector_load %arg9[%swap3A_116, %swap3A_117] {strides = array<i32>} : memref<5x128xi32, #tpu.memory_space<vmem>>, vector<1x16xi32>,
      %swap3A_119 = vector.shape_cast %swap3A_118 : vector<1x16xi32> to vector<16xi32>
      %swap3A_120 = vector.shape_cast %add3A_114 : vector<16xi32> to vector<1x16xi32>
      tpu.vector_store %arg9[%swap3A_116, %swap3A_117], %swap3A_120 {strides = array<i32>} : memref<5x128xi32, #tpu.memory_space<vmem>>, vector<1x16xi32>,
      %add3A_121 = arith.constant 96 : i32
      %add3A_122 = arith.addi %mul3A_88, %add3A_121 : i32
      %add3A_123 = vector.broadcast %add3A_122 : i32 to vector<16xi32>
      %add3A_124 = arith.addi %mul3A_91, %add3A_123 : vector<16xi32>
      %swap3A_125 = arith.constant 0 : i32
      %swap3A_126 = arith.index_cast %swap3A_125 : i32 to index
      %swap3A_127 = arith.constant 48 : index
      %swap3A_128 = tpu.vector_load %arg9[%swap3A_126, %swap3A_127] {strides = array<i32>} : memref<5x128xi32, #tpu.memory_space<vmem>>, vector<1x16xi32>,
      %swap3A_129 = vector.shape_cast %swap3A_128 : vector<1x16xi32> to vector<16xi32>
      %swap3A_130 = vector.shape_cast %add3A_124 : vector<16xi32> to vector<1x16xi32>
      tpu.vector_store %arg9[%swap3A_126, %swap3A_127], %swap3A_130 {strides = array<i32>} : memref<5x128xi32, #tpu.memory_space<vmem>>, vector<1x16xi32>,
      %add3A_131 = arith.constant 128 : i32
      %add3A_132 = arith.addi %mul3A_88, %add3A_131 : i32
      %add3A_133 = vector.broadcast %add3A_132 : i32 to vector<16xi32>
      %add3A_134 = arith.addi %mul3A_91, %add3A_133 : vector<16xi32>
      %swap3A_135 = arith.constant 0 : i32
      %swap3A_136 = arith.index_cast %swap3A_135 : i32 to index
      %swap3A_137 = arith.constant 64 : index
      %swap3A_138 = tpu.vector_load %arg9[%swap3A_136, %swap3A_137] {strides = array<i32>} : memref<5x128xi32, #tpu.memory_space<vmem>>, vector<1x16xi32>,
      %swap3A_139 = vector.shape_cast %swap3A_138 : vector<1x16xi32> to vector<16xi32>
      %swap3A_140 = vector.shape_cast %add3A_134 : vector<16xi32> to vector<1x16xi32>
      tpu.vector_store %arg9[%swap3A_136, %swap3A_137], %swap3A_140 {strides = array<i32>} : memref<5x128xi32, #tpu.memory_space<vmem>>, vector<1x16xi32>,
      %add3A_141 = arith.constant 160 : i32
      %add3A_142 = arith.addi %mul3A_88, %add3A_141 : i32
      %add3A_143 = vector.broadcast %add3A_142 : i32 to vector<16xi32>
      %add3A_144 = arith.addi %mul3A_91, %add3A_143 : vector<16xi32>
      %swap3A_145 = arith.constant 0 : i32
      %swap3A_146 = arith.index_cast %swap3A_145 : i32 to index
      %swap3A_147 = arith.constant 80 : index
      %swap3A_148 = tpu.vector_load %arg9[%swap3A_146, %swap3A_147] {strides = array<i32>} : memref<5x128xi32, #tpu.memory_space<vmem>>, vector<1x16xi32>,
      %swap3A_149 = vector.shape_cast %swap3A_148 : vector<1x16xi32> to vector<16xi32>
      %swap3A_150 = vector.shape_cast %add3A_144 : vector<16xi32> to vector<1x16xi32>
      tpu.vector_store %arg9[%swap3A_146, %swap3A_147], %swap3A_150 {strides = array<i32>} : memref<5x128xi32, #tpu.memory_space<vmem>>, vector<1x16xi32>,
      %add3A_151 = arith.constant 192 : i32
      %add3A_152 = arith.addi %mul3A_88, %add3A_151 : i32
      %add3A_153 = vector.broadcast %add3A_152 : i32 to vector<16xi32>
      %add3A_154 = arith.addi %mul3A_91, %add3A_153 : vector<16xi32>
      %swap3A_155 = arith.constant 0 : i32
      %swap3A_156 = arith.index_cast %swap3A_155 : i32 to index
      %swap3A_157 = arith.constant 96 : index
      %swap3A_158 = tpu.vector_load %arg9[%swap3A_156, %swap3A_157] {strides = array<i32>} : memref<5x128xi32, #tpu.memory_space<vmem>>, vector<1x16xi32>,
      %swap3A_159 = vector.shape_cast %swap3A_158 : vector<1x16xi32> to vector<16xi32>
      %swap3A_160 = vector.shape_cast %add3A_154 : vector<16xi32> to vector<1x16xi32>
      tpu.vector_store %arg9[%swap3A_156, %swap3A_157], %swap3A_160 {strides = array<i32>} : memref<5x128xi32, #tpu.memory_space<vmem>>, vector<1x16xi32>,
      %add3A_161 = arith.constant 224 : i32
      %add3A_162 = arith.addi %mul3A_88, %add3A_161 : i32
      %add3A_163 = vector.broadcast %add3A_162 : i32 to vector<16xi32>
      %add3A_164 = arith.addi %mul3A_91, %add3A_163 : vector<16xi32>
      %swap3A_165 = arith.constant 0 : i32
      %swap3A_166 = arith.index_cast %swap3A_165 : i32 to index
      %swap3A_167 = arith.constant 112 : index
      %swap3A_168 = tpu.vector_load %arg9[%swap3A_166, %swap3A_167] {strides = array<i32>} : memref<5x128xi32, #tpu.memory_space<vmem>>, vector<1x16xi32>,
      %swap3A_169 = vector.shape_cast %swap3A_168 : vector<1x16xi32> to vector<16xi32>
      %swap3A_170 = vector.shape_cast %add3A_164 : vector<16xi32> to vector<1x16xi32>
      tpu.vector_store %arg9[%swap3A_166, %swap3A_167], %swap3A_170 {strides = array<i32>} : memref<5x128xi32, #tpu.memory_space<vmem>>, vector<1x16xi32>,
      %ge3A = arith.constant 4 : i32
      %ge3A_171 = arith.cmpi sge, %add3A_69, %ge3A : i32
      %convert_element_type3A_172 = arith.extui %ge3A_171 : i1 to i32
      %cond3A_173 = arith.constant 0 : i32
      %cond3A_174 = arith.cmpi ne, %convert_element_type3A_172, %cond3A_173 : i32
      scf.if %cond3A_174 {
        %sub3A = arith.constant 4 : i32
        %sub3A_682 = arith.subi %add3A_69, %sub3A : i32
        %max3A = arith.constant 0 : i32
        %max3A_683 = arith.maxsi %sub3A_682, %max3A : i32
        %dma_wait3A_684 = arith.constant 1 : i32
        %dma_wait3A_685 = arith.constant 0 : i32
        %dma_wait3A_686 = tpu.memref_slice %arg9[%dma_wait3A_684, %dma_wait3A_685] : memref<5x128xi32, #tpu.memory_space<vmem>> -> memref<1x128xi32, #tpu.memory_space<vmem>>
        %dma_wait3A_687 = tpu.memref_squeeze %dma_wait3A_686 : memref<1x128xi32, #tpu.memory_space<vmem>> -> memref<128xi32, #tpu.memory_space<vmem>>
        %dma_wait3A_688 = arith.constant 0 : i32
        %dma_wait3A_689 = arith.constant 0 : i32
        %dma_wait3A_690 = arith.constant 0 : i32
        %dma_wait3A_691 = tpu.memref_slice %arg6[%dma_wait3A_688, %dma_wait3A_689, %dma_wait3A_690] : memref<819200x1x64xf32, #tpu.memory_space<hbm>> -> memref<819200x1x64xf32, #tpu.memory_space<hbm>>
        tpu.wait_indirect_dma semaphore(%arg27 : memref<!tpu.dma_semaphore, #tpu.memory_space<semaphore_mem>>) src(%arg11 : memref<128x1x64xf32, #tpu.memory_space<vmem>>) dst(%dma_wait3A_691 : memref<819200x1x64xf32, #tpu.memory_space<hbm>>)
      } else {
      }
      %add3A_175 = arith.constant 1 : i32
      %add3A_176 = arith.addi %add3A_69, %add3A_175 : i32
      %le3A = arith.constant 199 : i32
      %le3A_177 = arith.cmpi sle, %add3A_176, %le3A : i32
      %convert_element_type3A_178 = arith.extui %le3A_177 : i1 to i32
      %cond3A_179 = arith.constant 0 : i32
      %cond3A_180 = arith.cmpi ne, %convert_element_type3A_178, %cond3A_179 : i32
      scf.if %cond3A_180 {
        %add3A_682 = arith.constant 1 : i32
        %add3A_683 = arith.addi %add3A_69, %add3A_682 : i32
        %rem3A_684 = arith.constant 25 : i32
        %rem3A_685 = arith.remsi %add3A_683, %rem3A_684 : i32
        %dma_start3A_686 = arith.constant 0 : i32
        %dma_start3A_687 = tpu.memref_slice %arg8[%rem3A_685, %dma_start3A_686] : memref<25x128xi32, #tpu.memory_space<vmem>> -> memref<1x128xi32, #tpu.memory_space<vmem>>
        %dma_start3A_688 = tpu.memref_squeeze %dma_start3A_687 : memref<1x128xi32, #tpu.memory_space<vmem>> -> memref<128xi32, #tpu.memory_space<vmem>>
        %dma_start3A_689 = arith.constant 0 : i32
        %dma_start3A_690 = arith.constant 0 : i32
        %dma_start3A_691 = arith.constant 0 : i32
        %dma_start3A_692 = tpu.memref_slice %arg3[%dma_start3A_689, %dma_start3A_690, %dma_start3A_691] : memref<200x1x64xf32, #tpu.memory_space<hbm>> -> memref<200x1x64xf32, #tpu.memory_space<hbm>>
        tpu.enqueue_indirect_dma source(%dma_start3A_692 : memref<200x1x64xf32, #tpu.memory_space<hbm>>) target(%arg11 : memref<128x1x64xf32, #tpu.memory_space<vmem>>) offsets(%dma_start3A_688 : memref<128xi32, #tpu.memory_space<vmem>>) semaphore(%arg17 : memref<!tpu.dma_semaphore, #tpu.memory_space<semaphore_mem>>)
      } else {
      }
      %ge3A_181 = arith.constant 1 : i32
      %ge3A_182 = arith.cmpi sge, %add3A_69, %ge3A_181 : i32
      %convert_element_type3A_183 = arith.extui %ge3A_182 : i1 to i32
      %cond3A_184 = arith.constant 0 : i32
      %cond3A_185 = arith.cmpi ne, %convert_element_type3A_183, %cond3A_184 : i32
      scf.if %cond3A_185 {
        %sub3A = arith.constant 1 : i32
        %sub3A_682 = arith.subi %add3A_69, %sub3A : i32
        %max3A = arith.constant 0 : i32
        %max3A_683 = arith.maxsi %sub3A_682, %max3A : i32
        %dma_wait3A_684 = arith.constant 0 : i32
        %dma_wait3A_685 = tpu.memref_slice %arg7[%max3A_683, %dma_wait3A_684] : memref<200x128xi32, #tpu.memory_space<vmem>> -> memref<1x128xi32, #tpu.memory_space<vmem>>
        %dma_wait3A_686 = tpu.memref_squeeze %dma_wait3A_685 : memref<1x128xi32, #tpu.memory_space<vmem>> -> memref<128xi32, #tpu.memory_space<vmem>>
        %dma_wait3A_687 = arith.constant 0 : i32
        %dma_wait3A_688 = arith.constant 0 : i32
        %dma_wait3A_689 = arith.constant 0 : i32
        %dma_wait3A_690 = tpu.memref_slice %arg2[%dma_wait3A_687, %dma_wait3A_688, %dma_wait3A_689] : memref<1000000x1x64xf32, #tpu.memory_space<hbm>> -> memref<1000000x1x64xf32, #tpu.memory_space<hbm>>
        tpu.wait_indirect_dma semaphore(%arg25 : memref<!tpu.dma_semaphore, #tpu.memory_space<semaphore_mem>>) src(%dma_wait3A_690 : memref<1000000x1x64xf32, #tpu.memory_space<hbm>>) dst(%arg14 : memref<128x1x64xf32, #tpu.memory_space<vmem>>)
        %dma_start3A_691 = arith.constant 4 : i32
        %dma_start3A_692 = arith.constant 0 : i32
        %dma_start3A_693 = tpu.memref_slice %arg9[%dma_start3A_691, %dma_start3A_692] : memref<5x128xi32, #tpu.memory_space<vmem>> -> memref<1x128xi32, #tpu.memory_space<vmem>>
        %dma_start3A_694 = tpu.memref_squeeze %dma_start3A_693 : memref<1x128xi32, #tpu.memory_space<vmem>> -> memref<128xi32, #tpu.memory_space<vmem>>
        %dma_start3A_695 = arith.constant 0 : i32
        %dma_start3A_696 = arith.constant 0 : i32
        %dma_start3A_697 = arith.constant 0 : i32
        %dma_start3A_698 = tpu.memref_slice %arg6[%dma_start3A_695, %dma_start3A_696, %dma_start3A_697] : memref<819200x1x64xf32, #tpu.memory_space<hbm>> -> memref<819200x1x64xf32, #tpu.memory_space<hbm>>
        tpu.enqueue_indirect_dma source(%arg14 : memref<128x1x64xf32, #tpu.memory_space<vmem>>) target(%dma_start3A_698 : memref<819200x1x64xf32, #tpu.memory_space<hbm>>) offsets(%dma_start3A_694 : memref<128xi32, #tpu.memory_space<vmem>>) semaphore(%arg30 : memref<!tpu.dma_semaphore, #tpu.memory_space<semaphore_mem>>)
      } else {
      }
      %mul3A_186 = arith.constant 5 : i32
      %mul3A_187 = arith.muli %scan3A_65, %mul3A_186 : i32
      %add3A_188 = arith.constant 1 : i32
      %add3A_189 = arith.addi %mul3A_187, %add3A_188 : i32
      %rem3A_190 = arith.constant 25 : i32
      %rem3A_191 = arith.remsi %add3A_189, %rem3A_190 : i32
      %dma_wait3A_192 = arith.constant 0 : i32
      %dma_wait3A_193 = tpu.memref_slice %arg8[%rem3A_191, %dma_wait3A_192] : memref<25x128xi32, #tpu.memory_space<vmem>> -> memref<1x128xi32, #tpu.memory_space<vmem>>
      %dma_wait3A_194 = tpu.memref_squeeze %dma_wait3A_193 : memref<1x128xi32, #tpu.memory_space<vmem>> -> memref<128xi32, #tpu.memory_space<vmem>>
      %dma_wait3A_195 = arith.constant 0 : i32
      %dma_wait3A_196 = arith.constant 0 : i32
      %dma_wait3A_197 = arith.constant 0 : i32
      %dma_wait3A_198 = tpu.memref_slice %arg3[%dma_wait3A_195, %dma_wait3A_196, %dma_wait3A_197] : memref<200x1x64xf32, #tpu.memory_space<hbm>> -> memref<200x1x64xf32, #tpu.memory_space<hbm>>
      tpu.wait_indirect_dma semaphore(%arg17 : memref<!tpu.dma_semaphore, #tpu.memory_space<semaphore_mem>>) src(%dma_wait3A_198 : memref<200x1x64xf32, #tpu.memory_space<hbm>>) dst(%arg11 : memref<128x1x64xf32, #tpu.memory_space<vmem>>)
      %dma_start3A_199 = arith.constant 0 : i32
      %dma_start3A_200 = tpu.memref_slice %arg7[%add3A_189, %dma_start3A_199] : memref<200x128xi32, #tpu.memory_space<vmem>> -> memref<1x128xi32, #tpu.memory_space<vmem>>
      %dma_start3A_201 = tpu.memref_squeeze %dma_start3A_200 : memref<1x128xi32, #tpu.memory_space<vmem>> -> memref<128xi32, #tpu.memory_space<vmem>>
      %dma_start3A_202 = arith.constant 0 : i32
      %dma_start3A_203 = arith.constant 0 : i32
      %dma_start3A_204 = arith.constant 0 : i32
      %dma_start3A_205 = tpu.memref_slice %arg2[%dma_start3A_202, %dma_start3A_203, %dma_start3A_204] : memref<1000000x1x64xf32, #tpu.memory_space<hbm>> -> memref<1000000x1x64xf32, #tpu.memory_space<hbm>>
      tpu.enqueue_indirect_dma source(%dma_start3A_205 : memref<1000000x1x64xf32, #tpu.memory_space<hbm>>) target(%arg11 : memref<128x1x64xf32, #tpu.memory_space<vmem>>) offsets(%dma_start3A_201 : memref<128xi32, #tpu.memory_space<vmem>>) semaphore(%arg22 : memref<!tpu.dma_semaphore, #tpu.memory_space<semaphore_mem>>) {add = true}
      %add3A_206 = arith.addi %mul3A_2, %add3A_189 : i32
      %mul3A_207 = arith.constant 256 : i32
      %mul3A_208 = arith.muli %add3A_206, %mul3A_207 : i32
      %iota3A_209 = tpu.iota {dimensions = array<i32: 0>} : vector<16xi32>
      %mul3A_210 = arith.constant 2 : i32
      %mul3A_211 = vector.broadcast %mul3A_210 : i32 to vector<16xi32>
      %mul3A_212 = arith.muli %iota3A_209, %mul3A_211 : vector<16xi32>
      %add3A_213 = arith.constant 0 : i32
      %add3A_214 = arith.addi %mul3A_208, %add3A_213 : i32
      %add3A_215 = vector.broadcast %add3A_214 : i32 to vector<16xi32>
      %add3A_216 = arith.addi %mul3A_212, %add3A_215 : vector<16xi32>
      %swap3A_217 = arith.constant 1 : i32
      %swap3A_218 = arith.index_cast %swap3A_217 : i32 to index
      %swap3A_219 = arith.constant 0 : index
      %swap3A_220 = tpu.vector_load %arg9[%swap3A_218, %swap3A_219] {strides = array<i32>} : memref<5x128xi32, #tpu.memory_space<vmem>>, vector<1x16xi32>,
      %swap3A_221 = vector.shape_cast %swap3A_220 : vector<1x16xi32> to vector<16xi32>
      %swap3A_222 = vector.shape_cast %add3A_216 : vector<16xi32> to vector<1x16xi32>
      tpu.vector_store %arg9[%swap3A_218, %swap3A_219], %swap3A_222 {strides = array<i32>} : memref<5x128xi32, #tpu.memory_space<vmem>>, vector<1x16xi32>,
      %add3A_223 = arith.constant 32 : i32
      %add3A_224 = arith.addi %mul3A_208, %add3A_223 : i32
      %add3A_225 = vector.broadcast %add3A_224 : i32 to vector<16xi32>
      %add3A_226 = arith.addi %mul3A_212, %add3A_225 : vector<16xi32>
      %swap3A_227 = arith.constant 1 : i32
      %swap3A_228 = arith.index_cast %swap3A_227 : i32 to index
      %swap3A_229 = arith.constant 16 : index
      %swap3A_230 = tpu.vector_load %arg9[%swap3A_228, %swap3A_229] {strides = array<i32>} : memref<5x128xi32, #tpu.memory_space<vmem>>, vector<1x16xi32>,
      %swap3A_231 = vector.shape_cast %swap3A_230 : vector<1x16xi32> to vector<16xi32>
      %swap3A_232 = vector.shape_cast %add3A_226 : vector<16xi32> to vector<1x16xi32>
      tpu.vector_store %arg9[%swap3A_228, %swap3A_229], %swap3A_232 {strides = array<i32>} : memref<5x128xi32, #tpu.memory_space<vmem>>, vector<1x16xi32>,
      %add3A_233 = arith.constant 64 : i32
      %add3A_234 = arith.addi %mul3A_208, %add3A_233 : i32
      %add3A_235 = vector.broadcast %add3A_234 : i32 to vector<16xi32>
      %add3A_236 = arith.addi %mul3A_212, %add3A_235 : vector<16xi32>
      %swap3A_237 = arith.constant 1 : i32
      %swap3A_238 = arith.index_cast %swap3A_237 : i32 to index
      %swap3A_239 = arith.constant 32 : index
      %swap3A_240 = tpu.vector_load %arg9[%swap3A_238, %swap3A_239] {strides = array<i32>} : memref<5x128xi32, #tpu.memory_space<vmem>>, vector<1x16xi32>,
      %swap3A_241 = vector.shape_cast %swap3A_240 : vector<1x16xi32> to vector<16xi32>
      %swap3A_242 = vector.shape_cast %add3A_236 : vector<16xi32> to vector<1x16xi32>
      tpu.vector_store %arg9[%swap3A_238, %swap3A_239], %swap3A_242 {strides = array<i32>} : memref<5x128xi32, #tpu.memory_space<vmem>>, vector<1x16xi32>,
      %add3A_243 = arith.constant 96 : i32
      %add3A_244 = arith.addi %mul3A_208, %add3A_243 : i32
      %add3A_245 = vector.broadcast %add3A_244 : i32 to vector<16xi32>
      %add3A_246 = arith.addi %mul3A_212, %add3A_245 : vector<16xi32>
      %swap3A_247 = arith.constant 1 : i32
      %swap3A_248 = arith.index_cast %swap3A_247 : i32 to index
      %swap3A_249 = arith.constant 48 : index
      %swap3A_250 = tpu.vector_load %arg9[%swap3A_248, %swap3A_249] {strides = array<i32>} : memref<5x128xi32, #tpu.memory_space<vmem>>, vector<1x16xi32>,
      %swap3A_251 = vector.shape_cast %swap3A_250 : vector<1x16xi32> to vector<16xi32>
      %swap3A_252 = vector.shape_cast %add3A_246 : vector<16xi32> to vector<1x16xi32>
      tpu.vector_store %arg9[%swap3A_248, %swap3A_249], %swap3A_252 {strides = array<i32>} : memref<5x128xi32, #tpu.memory_space<vmem>>, vector<1x16xi32>,
      %add3A_253 = arith.constant 128 : i32
      %add3A_254 = arith.addi %mul3A_208, %add3A_253 : i32
      %add3A_255 = vector.broadcast %add3A_254 : i32 to vector<16xi32>
      %add3A_256 = arith.addi %mul3A_212, %add3A_255 : vector<16xi32>
      %swap3A_257 = arith.constant 1 : i32
      %swap3A_258 = arith.index_cast %swap3A_257 : i32 to index
      %swap3A_259 = arith.constant 64 : index
      %swap3A_260 = tpu.vector_load %arg9[%swap3A_258, %swap3A_259] {strides = array<i32>} : memref<5x128xi32, #tpu.memory_space<vmem>>, vector<1x16xi32>,
      %swap3A_261 = vector.shape_cast %swap3A_260 : vector<1x16xi32> to vector<16xi32>
      %swap3A_262 = vector.shape_cast %add3A_256 : vector<16xi32> to vector<1x16xi32>
      tpu.vector_store %arg9[%swap3A_258, %swap3A_259], %swap3A_262 {strides = array<i32>} : memref<5x128xi32, #tpu.memory_space<vmem>>, vector<1x16xi32>,
      %add3A_263 = arith.constant 160 : i32
      %add3A_264 = arith.addi %mul3A_208, %add3A_263 : i32
      %add3A_265 = vector.broadcast %add3A_264 : i32 to vector<16xi32>
      %add3A_266 = arith.addi %mul3A_212, %add3A_265 : vector<16xi32>
      %swap3A_267 = arith.constant 1 : i32
      %swap3A_268 = arith.index_cast %swap3A_267 : i32 to index
      %swap3A_269 = arith.constant 80 : index
      %swap3A_270 = tpu.vector_load %arg9[%swap3A_268, %swap3A_269] {strides = array<i32>} : memref<5x128xi32, #tpu.memory_space<vmem>>, vector<1x16xi32>,
      %swap3A_271 = vector.shape_cast %swap3A_270 : vector<1x16xi32> to vector<16xi32>
      %swap3A_272 = vector.shape_cast %add3A_266 : vector<16xi32> to vector<1x16xi32>
      tpu.vector_store %arg9[%swap3A_268, %swap3A_269], %swap3A_272 {strides = array<i32>} : memref<5x128xi32, #tpu.memory_space<vmem>>, vector<1x16xi32>,
      %add3A_273 = arith.constant 192 : i32
      %add3A_274 = arith.addi %mul3A_208, %add3A_273 : i32
      %add3A_275 = vector.broadcast %add3A_274 : i32 to vector<16xi32>
      %add3A_276 = arith.addi %mul3A_212, %add3A_275 : vector<16xi32>
      %swap3A_277 = arith.constant 1 : i32
      %swap3A_278 = arith.index_cast %swap3A_277 : i32 to index
      %swap3A_279 = arith.constant 96 : index
      %swap3A_280 = tpu.vector_load %arg9[%swap3A_278, %swap3A_279] {strides = array<i32>} : memref<5x128xi32, #tpu.memory_space<vmem>>, vector<1x16xi32>,
      %swap3A_281 = vector.shape_cast %swap3A_280 : vector<1x16xi32> to vector<16xi32>
      %swap3A_282 = vector.shape_cast %add3A_276 : vector<16xi32> to vector<1x16xi32>
      tpu.vector_store %arg9[%swap3A_278, %swap3A_279], %swap3A_282 {strides = array<i32>} : memref<5x128xi32, #tpu.memory_space<vmem>>, vector<1x16xi32>,
      %add3A_283 = arith.constant 224 : i32
      %add3A_284 = arith.addi %mul3A_208, %add3A_283 : i32
      %add3A_285 = vector.broadcast %add3A_284 : i32 to vector<16xi32>
      %add3A_286 = arith.addi %mul3A_212, %add3A_285 : vector<16xi32>
      %swap3A_287 = arith.constant 1 : i32
      %swap3A_288 = arith.index_cast %swap3A_287 : i32 to index
      %swap3A_289 = arith.constant 112 : index
      %swap3A_290 = tpu.vector_load %arg9[%swap3A_288, %swap3A_289] {strides = array<i32>} : memref<5x128xi32, #tpu.memory_space<vmem>>, vector<1x16xi32>,
      %swap3A_291 = vector.shape_cast %swap3A_290 : vector<1x16xi32> to vector<16xi32>
      %swap3A_292 = vector.shape_cast %add3A_286 : vector<16xi32> to vector<1x16xi32>
      tpu.vector_store %arg9[%swap3A_288, %swap3A_289], %swap3A_292 {strides = array<i32>} : memref<5x128xi32, #tpu.memory_space<vmem>>, vector<1x16xi32>,
      %ge3A_293 = arith.constant 4 : i32
      %ge3A_294 = arith.cmpi sge, %add3A_189, %ge3A_293 : i32
      %convert_element_type3A_295 = arith.extui %ge3A_294 : i1 to i32
      %cond3A_296 = arith.constant 0 : i32
      %cond3A_297 = arith.cmpi ne, %convert_element_type3A_295, %cond3A_296 : i32
      scf.if %cond3A_297 {
        %sub3A = arith.constant 4 : i32
        %sub3A_682 = arith.subi %add3A_189, %sub3A : i32
        %max3A = arith.constant 0 : i32
        %max3A_683 = arith.maxsi %sub3A_682, %max3A : i32
        %dma_wait3A_684 = arith.constant 2 : i32
        %dma_wait3A_685 = arith.constant 0 : i32
        %dma_wait3A_686 = tpu.memref_slice %arg9[%dma_wait3A_684, %dma_wait3A_685] : memref<5x128xi32, #tpu.memory_space<vmem>> -> memref<1x128xi32, #tpu.memory_space<vmem>>
        %dma_wait3A_687 = tpu.memref_squeeze %dma_wait3A_686 : memref<1x128xi32, #tpu.memory_space<vmem>> -> memref<128xi32, #tpu.memory_space<vmem>>
        %dma_wait3A_688 = arith.constant 0 : i32
        %dma_wait3A_689 = arith.constant 0 : i32
        %dma_wait3A_690 = arith.constant 0 : i32
        %dma_wait3A_691 = tpu.memref_slice %arg6[%dma_wait3A_688, %dma_wait3A_689, %dma_wait3A_690] : memref<819200x1x64xf32, #tpu.memory_space<hbm>> -> memref<819200x1x64xf32, #tpu.memory_space<hbm>>
        tpu.wait_indirect_dma semaphore(%arg28 : memref<!tpu.dma_semaphore, #tpu.memory_space<semaphore_mem>>) src(%arg12 : memref<128x1x64xf32, #tpu.memory_space<vmem>>) dst(%dma_wait3A_691 : memref<819200x1x64xf32, #tpu.memory_space<hbm>>)
      } else {
      }
      %add3A_298 = arith.constant 1 : i32
      %add3A_299 = arith.addi %add3A_189, %add3A_298 : i32
      %le3A_300 = arith.constant 199 : i32
      %le3A_301 = arith.cmpi sle, %add3A_299, %le3A_300 : i32
      %convert_element_type3A_302 = arith.extui %le3A_301 : i1 to i32
      %cond3A_303 = arith.constant 0 : i32
      %cond3A_304 = arith.cmpi ne, %convert_element_type3A_302, %cond3A_303 : i32
      scf.if %cond3A_304 {
        %add3A_682 = arith.constant 1 : i32
        %add3A_683 = arith.addi %add3A_189, %add3A_682 : i32
        %rem3A_684 = arith.constant 25 : i32
        %rem3A_685 = arith.remsi %add3A_683, %rem3A_684 : i32
        %dma_start3A_686 = arith.constant 0 : i32
        %dma_start3A_687 = tpu.memref_slice %arg8[%rem3A_685, %dma_start3A_686] : memref<25x128xi32, #tpu.memory_space<vmem>> -> memref<1x128xi32, #tpu.memory_space<vmem>>
        %dma_start3A_688 = tpu.memref_squeeze %dma_start3A_687 : memref<1x128xi32, #tpu.memory_space<vmem>> -> memref<128xi32, #tpu.memory_space<vmem>>
        %dma_start3A_689 = arith.constant 0 : i32
        %dma_start3A_690 = arith.constant 0 : i32
        %dma_start3A_691 = arith.constant 0 : i32
        %dma_start3A_692 = tpu.memref_slice %arg3[%dma_start3A_689, %dma_start3A_690, %dma_start3A_691] : memref<200x1x64xf32, #tpu.memory_space<hbm>> -> memref<200x1x64xf32, #tpu.memory_space<hbm>>
        tpu.enqueue_indirect_dma source(%dma_start3A_692 : memref<200x1x64xf32, #tpu.memory_space<hbm>>) target(%arg12 : memref<128x1x64xf32, #tpu.memory_space<vmem>>) offsets(%dma_start3A_688 : memref<128xi32, #tpu.memory_space<vmem>>) semaphore(%arg18 : memref<!tpu.dma_semaphore, #tpu.memory_space<semaphore_mem>>)
      } else {
      }
      %ge3A_305 = arith.constant 1 : i32
      %ge3A_306 = arith.cmpi sge, %add3A_189, %ge3A_305 : i32
      %convert_element_type3A_307 = arith.extui %ge3A_306 : i1 to i32
      %cond3A_308 = arith.constant 0 : i32
      %cond3A_309 = arith.cmpi ne, %convert_element_type3A_307, %cond3A_308 : i32
      scf.if %cond3A_309 {
        %sub3A = arith.constant 1 : i32
        %sub3A_682 = arith.subi %add3A_189, %sub3A : i32
        %max3A = arith.constant 0 : i32
        %max3A_683 = arith.maxsi %sub3A_682, %max3A : i32
        %dma_wait3A_684 = arith.constant 0 : i32
        %dma_wait3A_685 = tpu.memref_slice %arg7[%max3A_683, %dma_wait3A_684] : memref<200x128xi32, #tpu.memory_space<vmem>> -> memref<1x128xi32, #tpu.memory_space<vmem>>
        %dma_wait3A_686 = tpu.memref_squeeze %dma_wait3A_685 : memref<1x128xi32, #tpu.memory_space<vmem>> -> memref<128xi32, #tpu.memory_space<vmem>>
        %dma_wait3A_687 = arith.constant 0 : i32
        %dma_wait3A_688 = arith.constant 0 : i32
        %dma_wait3A_689 = arith.constant 0 : i32
        %dma_wait3A_690 = tpu.memref_slice %arg2[%dma_wait3A_687, %dma_wait3A_688, %dma_wait3A_689] : memref<1000000x1x64xf32, #tpu.memory_space<hbm>> -> memref<1000000x1x64xf32, #tpu.memory_space<hbm>>
        tpu.wait_indirect_dma semaphore(%arg21 : memref<!tpu.dma_semaphore, #tpu.memory_space<semaphore_mem>>) src(%dma_wait3A_690 : memref<1000000x1x64xf32, #tpu.memory_space<hbm>>) dst(%arg10 : memref<128x1x64xf32, #tpu.memory_space<vmem>>)
        %dma_start3A_691 = arith.constant 0 : i32
        %dma_start3A_692 = arith.constant 0 : i32
        %dma_start3A_693 = tpu.memref_slice %arg9[%dma_start3A_691, %dma_start3A_692] : memref<5x128xi32, #tpu.memory_space<vmem>> -> memref<1x128xi32, #tpu.memory_space<vmem>>
        %dma_start3A_694 = tpu.memref_squeeze %dma_start3A_693 : memref<1x128xi32, #tpu.memory_space<vmem>> -> memref<128xi32, #tpu.memory_space<vmem>>
        %dma_start3A_695 = arith.constant 0 : i32
        %dma_start3A_696 = arith.constant 0 : i32
        %dma_start3A_697 = arith.constant 0 : i32
        %dma_start3A_698 = tpu.memref_slice %arg6[%dma_start3A_695, %dma_start3A_696, %dma_start3A_697] : memref<819200x1x64xf32, #tpu.memory_space<hbm>> -> memref<819200x1x64xf32, #tpu.memory_space<hbm>>
        tpu.enqueue_indirect_dma source(%arg10 : memref<128x1x64xf32, #tpu.memory_space<vmem>>) target(%dma_start3A_698 : memref<819200x1x64xf32, #tpu.memory_space<hbm>>) offsets(%dma_start3A_694 : memref<128xi32, #tpu.memory_space<vmem>>) semaphore(%arg26 : memref<!tpu.dma_semaphore, #tpu.memory_space<semaphore_mem>>)
      } else {
      }
      %mul3A_310 = arith.constant 5 : i32
      %mul3A_311 = arith.muli %scan3A_65, %mul3A_310 : i32
      %add3A_312 = arith.constant 2 : i32
      %add3A_313 = arith.addi %mul3A_311, %add3A_312 : i32
      %rem3A_314 = arith.constant 25 : i32
      %rem3A_315 = arith.remsi %add3A_313, %rem3A_314 : i32
      %dma_wait3A_316 = arith.constant 0 : i32
      %dma_wait3A_317 = tpu.memref_slice %arg8[%rem3A_315, %dma_wait3A_316] : memref<25x128xi32, #tpu.memory_space<vmem>> -> memref<1x128xi32, #tpu.memory_space<vmem>>
      %dma_wait3A_318 = tpu.memref_squeeze %dma_wait3A_317 : memref<1x128xi32, #tpu.memory_space<vmem>> -> memref<128xi32, #tpu.memory_space<vmem>>
      %dma_wait3A_319 = arith.constant 0 : i32
      %dma_wait3A_320 = arith.constant 0 : i32
      %dma_wait3A_321 = arith.constant 0 : i32
      %dma_wait3A_322 = tpu.memref_slice %arg3[%dma_wait3A_319, %dma_wait3A_320, %dma_wait3A_321] : memref<200x1x64xf32, #tpu.memory_space<hbm>> -> memref<200x1x64xf32, #tpu.memory_space<hbm>>
      tpu.wait_indirect_dma semaphore(%arg18 : memref<!tpu.dma_semaphore, #tpu.memory_space<semaphore_mem>>) src(%dma_wait3A_322 : memref<200x1x64xf32, #tpu.memory_space<hbm>>) dst(%arg12 : memref<128x1x64xf32, #tpu.memory_space<vmem>>)
      %dma_start3A_323 = arith.constant 0 : i32
      %dma_start3A_324 = tpu.memref_slice %arg7[%add3A_313, %dma_start3A_323] : memref<200x128xi32, #tpu.memory_space<vmem>> -> memref<1x128xi32, #tpu.memory_space<vmem>>
      %dma_start3A_325 = tpu.memref_squeeze %dma_start3A_324 : memref<1x128xi32, #tpu.memory_space<vmem>> -> memref<128xi32, #tpu.memory_space<vmem>>
      %dma_start3A_326 = arith.constant 0 : i32
      %dma_start3A_327 = arith.constant 0 : i32
      %dma_start3A_328 = arith.constant 0 : i32
      %dma_start3A_329 = tpu.memref_slice %arg2[%dma_start3A_326, %dma_start3A_327, %dma_start3A_328] : memref<1000000x1x64xf32, #tpu.memory_space<hbm>> -> memref<1000000x1x64xf32, #tpu.memory_space<hbm>>
      tpu.enqueue_indirect_dma source(%dma_start3A_329 : memref<1000000x1x64xf32, #tpu.memory_space<hbm>>) target(%arg12 : memref<128x1x64xf32, #tpu.memory_space<vmem>>) offsets(%dma_start3A_325 : memref<128xi32, #tpu.memory_space<vmem>>) semaphore(%arg23 : memref<!tpu.dma_semaphore, #tpu.memory_space<semaphore_mem>>) {add = true}
      %add3A_330 = arith.addi %mul3A_2, %add3A_313 : i32
      %mul3A_331 = arith.constant 256 : i32
      %mul3A_332 = arith.muli %add3A_330, %mul3A_331 : i32
      %iota3A_333 = tpu.iota {dimensions = array<i32: 0>} : vector<16xi32>
      %mul3A_334 = arith.constant 2 : i32
      %mul3A_335 = vector.broadcast %mul3A_334 : i32 to vector<16xi32>
      %mul3A_336 = arith.muli %iota3A_333, %mul3A_335 : vector<16xi32>
      %add3A_337 = arith.constant 0 : i32
      %add3A_338 = arith.addi %mul3A_332, %add3A_337 : i32
      %add3A_339 = vector.broadcast %add3A_338 : i32 to vector<16xi32>
      %add3A_340 = arith.addi %mul3A_336, %add3A_339 : vector<16xi32>
      %swap3A_341 = arith.constant 2 : i32
      %swap3A_342 = arith.index_cast %swap3A_341 : i32 to index
      %swap3A_343 = arith.constant 0 : index
      %swap3A_344 = tpu.vector_load %arg9[%swap3A_342, %swap3A_343] {strides = array<i32>} : memref<5x128xi32, #tpu.memory_space<vmem>>, vector<1x16xi32>,
      %swap3A_345 = vector.shape_cast %swap3A_344 : vector<1x16xi32> to vector<16xi32>
      %swap3A_346 = vector.shape_cast %add3A_340 : vector<16xi32> to vector<1x16xi32>
      tpu.vector_store %arg9[%swap3A_342, %swap3A_343], %swap3A_346 {strides = array<i32>} : memref<5x128xi32, #tpu.memory_space<vmem>>, vector<1x16xi32>,
      %add3A_347 = arith.constant 32 : i32
      %add3A_348 = arith.addi %mul3A_332, %add3A_347 : i32
      %add3A_349 = vector.broadcast %add3A_348 : i32 to vector<16xi32>
      %add3A_350 = arith.addi %mul3A_336, %add3A_349 : vector<16xi32>
      %swap3A_351 = arith.constant 2 : i32
      %swap3A_352 = arith.index_cast %swap3A_351 : i32 to index
      %swap3A_353 = arith.constant 16 : index
      %swap3A_354 = tpu.vector_load %arg9[%swap3A_352, %swap3A_353] {strides = array<i32>} : memref<5x128xi32, #tpu.memory_space<vmem>>, vector<1x16xi32>,
      %swap3A_355 = vector.shape_cast %swap3A_354 : vector<1x16xi32> to vector<16xi32>
      %swap3A_356 = vector.shape_cast %add3A_350 : vector<16xi32> to vector<1x16xi32>
      tpu.vector_store %arg9[%swap3A_352, %swap3A_353], %swap3A_356 {strides = array<i32>} : memref<5x128xi32, #tpu.memory_space<vmem>>, vector<1x16xi32>,
      %add3A_357 = arith.constant 64 : i32
      %add3A_358 = arith.addi %mul3A_332, %add3A_357 : i32
      %add3A_359 = vector.broadcast %add3A_358 : i32 to vector<16xi32>
      %add3A_360 = arith.addi %mul3A_336, %add3A_359 : vector<16xi32>
      %swap3A_361 = arith.constant 2 : i32
      %swap3A_362 = arith.index_cast %swap3A_361 : i32 to index
      %swap3A_363 = arith.constant 32 : index
      %swap3A_364 = tpu.vector_load %arg9[%swap3A_362, %swap3A_363] {strides = array<i32>} : memref<5x128xi32, #tpu.memory_space<vmem>>, vector<1x16xi32>,
      %swap3A_365 = vector.shape_cast %swap3A_364 : vector<1x16xi32> to vector<16xi32>
      %swap3A_366 = vector.shape_cast %add3A_360 : vector<16xi32> to vector<1x16xi32>
      tpu.vector_store %arg9[%swap3A_362, %swap3A_363], %swap3A_366 {strides = array<i32>} : memref<5x128xi32, #tpu.memory_space<vmem>>, vector<1x16xi32>,
      %add3A_367 = arith.constant 96 : i32
      %add3A_368 = arith.addi %mul3A_332, %add3A_367 : i32
      %add3A_369 = vector.broadcast %add3A_368 : i32 to vector<16xi32>
      %add3A_370 = arith.addi %mul3A_336, %add3A_369 : vector<16xi32>
      %swap3A_371 = arith.constant 2 : i32
      %swap3A_372 = arith.index_cast %swap3A_371 : i32 to index
      %swap3A_373 = arith.constant 48 : index
      %swap3A_374 = tpu.vector_load %arg9[%swap3A_372, %swap3A_373] {strides = array<i32>} : memref<5x128xi32, #tpu.memory_space<vmem>>, vector<1x16xi32>,
      %swap3A_375 = vector.shape_cast %swap3A_374 : vector<1x16xi32> to vector<16xi32>
      %swap3A_376 = vector.shape_cast %add3A_370 : vector<16xi32> to vector<1x16xi32>
      tpu.vector_store %arg9[%swap3A_372, %swap3A_373], %swap3A_376 {strides = array<i32>} : memref<5x128xi32, #tpu.memory_space<vmem>>, vector<1x16xi32>,
      %add3A_377 = arith.constant 128 : i32
      %add3A_378 = arith.addi %mul3A_332, %add3A_377 : i32
      %add3A_379 = vector.broadcast %add3A_378 : i32 to vector<16xi32>
      %add3A_380 = arith.addi %mul3A_336, %add3A_379 : vector<16xi32>
      %swap3A_381 = arith.constant 2 : i32
      %swap3A_382 = arith.index_cast %swap3A_381 : i32 to index
      %swap3A_383 = arith.constant 64 : index
      %swap3A_384 = tpu.vector_load %arg9[%swap3A_382, %swap3A_383] {strides = array<i32>} : memref<5x128xi32, #tpu.memory_space<vmem>>, vector<1x16xi32>,
      %swap3A_385 = vector.shape_cast %swap3A_384 : vector<1x16xi32> to vector<16xi32>
      %swap3A_386 = vector.shape_cast %add3A_380 : vector<16xi32> to vector<1x16xi32>
      tpu.vector_store %arg9[%swap3A_382, %swap3A_383], %swap3A_386 {strides = array<i32>} : memref<5x128xi32, #tpu.memory_space<vmem>>, vector<1x16xi32>,
      %add3A_387 = arith.constant 160 : i32
      %add3A_388 = arith.addi %mul3A_332, %add3A_387 : i32
      %add3A_389 = vector.broadcast %add3A_388 : i32 to vector<16xi32>
      %add3A_390 = arith.addi %mul3A_336, %add3A_389 : vector<16xi32>
      %swap3A_391 = arith.constant 2 : i32
      %swap3A_392 = arith.index_cast %swap3A_391 : i32 to index
      %swap3A_393 = arith.constant 80 : index
      %swap3A_394 = tpu.vector_load %arg9[%swap3A_392, %swap3A_393] {strides = array<i32>} : memref<5x128xi32, #tpu.memory_space<vmem>>, vector<1x16xi32>,
      %swap3A_395 = vector.shape_cast %swap3A_394 : vector<1x16xi32> to vector<16xi32>
      %swap3A_396 = vector.shape_cast %add3A_390 : vector<16xi32> to vector<1x16xi32>
      tpu.vector_store %arg9[%swap3A_392, %swap3A_393], %swap3A_396 {strides = array<i32>} : memref<5x128xi32, #tpu.memory_space<vmem>>, vector<1x16xi32>,
      %add3A_397 = arith.constant 192 : i32
      %add3A_398 = arith.addi %mul3A_332, %add3A_397 : i32
      %add3A_399 = vector.broadcast %add3A_398 : i32 to vector<16xi32>
      %add3A_400 = arith.addi %mul3A_336, %add3A_399 : vector<16xi32>
      %swap3A_401 = arith.constant 2 : i32
      %swap3A_402 = arith.index_cast %swap3A_401 : i32 to index
      %swap3A_403 = arith.constant 96 : index
      %swap3A_404 = tpu.vector_load %arg9[%swap3A_402, %swap3A_403] {strides = array<i32>} : memref<5x128xi32, #tpu.memory_space<vmem>>, vector<1x16xi32>,
      %swap3A_405 = vector.shape_cast %swap3A_404 : vector<1x16xi32> to vector<16xi32>
      %swap3A_406 = vector.shape_cast %add3A_400 : vector<16xi32> to vector<1x16xi32>
      tpu.vector_store %arg9[%swap3A_402, %swap3A_403], %swap3A_406 {strides = array<i32>} : memref<5x128xi32, #tpu.memory_space<vmem>>, vector<1x16xi32>,
      %add3A_407 = arith.constant 224 : i32
      %add3A_408 = arith.addi %mul3A_332, %add3A_407 : i32
      %add3A_409 = vector.broadcast %add3A_408 : i32 to vector<16xi32>
      %add3A_410 = arith.addi %mul3A_336, %add3A_409 : vector<16xi32>
      %swap3A_411 = arith.constant 2 : i32
      %swap3A_412 = arith.index_cast %swap3A_411 : i32 to index
      %swap3A_413 = arith.constant 112 : index
      %swap3A_414 = tpu.vector_load %arg9[%swap3A_412, %swap3A_413] {strides = array<i32>} : memref<5x128xi32, #tpu.memory_space<vmem>>, vector<1x16xi32>,
      %swap3A_415 = vector.shape_cast %swap3A_414 : vector<1x16xi32> to vector<16xi32>
      %swap3A_416 = vector.shape_cast %add3A_410 : vector<16xi32> to vector<1x16xi32>
      tpu.vector_store %arg9[%swap3A_412, %swap3A_413], %swap3A_416 {strides = array<i32>} : memref<5x128xi32, #tpu.memory_space<vmem>>, vector<1x16xi32>,
      %ge3A_417 = arith.constant 4 : i32
      %ge3A_418 = arith.cmpi sge, %add3A_313, %ge3A_417 : i32
      %convert_element_type3A_419 = arith.extui %ge3A_418 : i1 to i32
      %cond3A_420 = arith.constant 0 : i32
      %cond3A_421 = arith.cmpi ne, %convert_element_type3A_419, %cond3A_420 : i32
      scf.if %cond3A_421 {
        %sub3A = arith.constant 4 : i32
        %sub3A_682 = arith.subi %add3A_313, %sub3A : i32
        %max3A = arith.constant 0 : i32
        %max3A_683 = arith.maxsi %sub3A_682, %max3A : i32
        %dma_wait3A_684 = arith.constant 3 : i32
        %dma_wait3A_685 = arith.constant 0 : i32
        %dma_wait3A_686 = tpu.memref_slice %arg9[%dma_wait3A_684, %dma_wait3A_685] : memref<5x128xi32, #tpu.memory_space<vmem>> -> memref<1x128xi32, #tpu.memory_space<vmem>>
        %dma_wait3A_687 = tpu.memref_squeeze %dma_wait3A_686 : memref<1x128xi32, #tpu.memory_space<vmem>> -> memref<128xi32, #tpu.memory_space<vmem>>
        %dma_wait3A_688 = arith.constant 0 : i32
        %dma_wait3A_689 = arith.constant 0 : i32
        %dma_wait3A_690 = arith.constant 0 : i32
        %dma_wait3A_691 = tpu.memref_slice %arg6[%dma_wait3A_688, %dma_wait3A_689, %dma_wait3A_690] : memref<819200x1x64xf32, #tpu.memory_space<hbm>> -> memref<819200x1x64xf32, #tpu.memory_space<hbm>>
        tpu.wait_indirect_dma semaphore(%arg29 : memref<!tpu.dma_semaphore, #tpu.memory_space<semaphore_mem>>) src(%arg13 : memref<128x1x64xf32, #tpu.memory_space<vmem>>) dst(%dma_wait3A_691 : memref<819200x1x64xf32, #tpu.memory_space<hbm>>)
      } else {
      }
      %add3A_422 = arith.constant 1 : i32
      %add3A_423 = arith.addi %add3A_313, %add3A_422 : i32
      %le3A_424 = arith.constant 199 : i32
      %le3A_425 = arith.cmpi sle, %add3A_423, %le3A_424 : i32
      %convert_element_type3A_426 = arith.extui %le3A_425 : i1 to i32
      %cond3A_427 = arith.constant 0 : i32
      %cond3A_428 = arith.cmpi ne, %convert_element_type3A_426, %cond3A_427 : i32
      scf.if %cond3A_428 {
        %add3A_682 = arith.constant 1 : i32
        %add3A_683 = arith.addi %add3A_313, %add3A_682 : i32
        %rem3A_684 = arith.constant 25 : i32
        %rem3A_685 = arith.remsi %add3A_683, %rem3A_684 : i32
        %dma_start3A_686 = arith.constant 0 : i32
        %dma_start3A_687 = tpu.memref_slice %arg8[%rem3A_685, %dma_start3A_686] : memref<25x128xi32, #tpu.memory_space<vmem>> -> memref<1x128xi32, #tpu.memory_space<vmem>>
        %dma_start3A_688 = tpu.memref_squeeze %dma_start3A_687 : memref<1x128xi32, #tpu.memory_space<vmem>> -> memref<128xi32, #tpu.memory_space<vmem>>
        %dma_start3A_689 = arith.constant 0 : i32
        %dma_start3A_690 = arith.constant 0 : i32
        %dma_start3A_691 = arith.constant 0 : i32
        %dma_start3A_692 = tpu.memref_slice %arg3[%dma_start3A_689, %dma_start3A_690, %dma_start3A_691] : memref<200x1x64xf32, #tpu.memory_space<hbm>> -> memref<200x1x64xf32, #tpu.memory_space<hbm>>
        tpu.enqueue_indirect_dma source(%dma_start3A_692 : memref<200x1x64xf32, #tpu.memory_space<hbm>>) target(%arg13 : memref<128x1x64xf32, #tpu.memory_space<vmem>>) offsets(%dma_start3A_688 : memref<128xi32, #tpu.memory_space<vmem>>) semaphore(%arg19 : memref<!tpu.dma_semaphore, #tpu.memory_space<semaphore_mem>>)
      } else {
      }
      %ge3A_429 = arith.constant 1 : i32
      %ge3A_430 = arith.cmpi sge, %add3A_313, %ge3A_429 : i32
      %convert_element_type3A_431 = arith.extui %ge3A_430 : i1 to i32
      %cond3A_432 = arith.constant 0 : i32
      %cond3A_433 = arith.cmpi ne, %convert_element_type3A_431, %cond3A_432 : i32
      scf.if %cond3A_433 {
        %sub3A = arith.constant 1 : i32
        %sub3A_682 = arith.subi %add3A_313, %sub3A : i32
        %max3A = arith.constant 0 : i32
        %max3A_683 = arith.maxsi %sub3A_682, %max3A : i32
        %dma_wait3A_684 = arith.constant 0 : i32
        %dma_wait3A_685 = tpu.memref_slice %arg7[%max3A_683, %dma_wait3A_684] : memref<200x128xi32, #tpu.memory_space<vmem>> -> memref<1x128xi32, #tpu.memory_space<vmem>>
        %dma_wait3A_686 = tpu.memref_squeeze %dma_wait3A_685 : memref<1x128xi32, #tpu.memory_space<vmem>> -> memref<128xi32, #tpu.memory_space<vmem>>
        %dma_wait3A_687 = arith.constant 0 : i32
        %dma_wait3A_688 = arith.constant 0 : i32
        %dma_wait3A_689 = arith.constant 0 : i32
        %dma_wait3A_690 = tpu.memref_slice %arg2[%dma_wait3A_687, %dma_wait3A_688, %dma_wait3A_689] : memref<1000000x1x64xf32, #tpu.memory_space<hbm>> -> memref<1000000x1x64xf32, #tpu.memory_space<hbm>>
        tpu.wait_indirect_dma semaphore(%arg22 : memref<!tpu.dma_semaphore, #tpu.memory_space<semaphore_mem>>) src(%dma_wait3A_690 : memref<1000000x1x64xf32, #tpu.memory_space<hbm>>) dst(%arg11 : memref<128x1x64xf32, #tpu.memory_space<vmem>>)
        %dma_start3A_691 = arith.constant 1 : i32
        %dma_start3A_692 = arith.constant 0 : i32
        %dma_start3A_693 = tpu.memref_slice %arg9[%dma_start3A_691, %dma_start3A_692] : memref<5x128xi32, #tpu.memory_space<vmem>> -> memref<1x128xi32, #tpu.memory_space<vmem>>
        %dma_start3A_694 = tpu.memref_squeeze %dma_start3A_693 : memref<1x128xi32, #tpu.memory_space<vmem>> -> memref<128xi32, #tpu.memory_space<vmem>>
        %dma_start3A_695 = arith.constant 0 : i32
        %dma_start3A_696 = arith.constant 0 : i32
        %dma_start3A_697 = arith.constant 0 : i32
        %dma_start3A_698 = tpu.memref_slice %arg6[%dma_start3A_695, %dma_start3A_696, %dma_start3A_697] : memref<819200x1x64xf32, #tpu.memory_space<hbm>> -> memref<819200x1x64xf32, #tpu.memory_space<hbm>>
        tpu.enqueue_indirect_dma source(%arg11 : memref<128x1x64xf32, #tpu.memory_space<vmem>>) target(%dma_start3A_698 : memref<819200x1x64xf32, #tpu.memory_space<hbm>>) offsets(%dma_start3A_694 : memref<128xi32, #tpu.memory_space<vmem>>) semaphore(%arg27 : memref<!tpu.dma_semaphore, #tpu.memory_space<semaphore_mem>>)
      } else {
      }
      %mul3A_434 = arith.constant 5 : i32
      %mul3A_435 = arith.muli %scan3A_65, %mul3A_434 : i32
      %add3A_436 = arith.constant 3 : i32
      %add3A_437 = arith.addi %mul3A_435, %add3A_436 : i32
      %rem3A_438 = arith.constant 25 : i32
      %rem3A_439 = arith.remsi %add3A_437, %rem3A_438 : i32
      %dma_wait3A_440 = arith.constant 0 : i32
      %dma_wait3A_441 = tpu.memref_slice %arg8[%rem3A_439, %dma_wait3A_440] : memref<25x128xi32, #tpu.memory_space<vmem>> -> memref<1x128xi32, #tpu.memory_space<vmem>>
      %dma_wait3A_442 = tpu.memref_squeeze %dma_wait3A_441 : memref<1x128xi32, #tpu.memory_space<vmem>> -> memref<128xi32, #tpu.memory_space<vmem>>
      %dma_wait3A_443 = arith.constant 0 : i32
      %dma_wait3A_444 = arith.constant 0 : i32
      %dma_wait3A_445 = arith.constant 0 : i32
      %dma_wait3A_446 = tpu.memref_slice %arg3[%dma_wait3A_443, %dma_wait3A_444, %dma_wait3A_445] : memref<200x1x64xf32, #tpu.memory_space<hbm>> -> memref<200x1x64xf32, #tpu.memory_space<hbm>>
      tpu.wait_indirect_dma semaphore(%arg19 : memref<!tpu.dma_semaphore, #tpu.memory_space<semaphore_mem>>) src(%dma_wait3A_446 : memref<200x1x64xf32, #tpu.memory_space<hbm>>) dst(%arg13 : memref<128x1x64xf32, #tpu.memory_space<vmem>>)
      %dma_start3A_447 = arith.constant 0 : i32
      %dma_start3A_448 = tpu.memref_slice %arg7[%add3A_437, %dma_start3A_447] : memref<200x128xi32, #tpu.memory_space<vmem>> -> memref<1x128xi32, #tpu.memory_space<vmem>>
      %dma_start3A_449 = tpu.memref_squeeze %dma_start3A_448 : memref<1x128xi32, #tpu.memory_space<vmem>> -> memref<128xi32, #tpu.memory_space<vmem>>
      %dma_start3A_450 = arith.constant 0 : i32
      %dma_start3A_451 = arith.constant 0 : i32
      %dma_start3A_452 = arith.constant 0 : i32
      %dma_start3A_453 = tpu.memref_slice %arg2[%dma_start3A_450, %dma_start3A_451, %dma_start3A_452] : memref<1000000x1x64xf32, #tpu.memory_space<hbm>> -> memref<1000000x1x64xf32, #tpu.memory_space<hbm>>
      tpu.enqueue_indirect_dma source(%dma_start3A_453 : memref<1000000x1x64xf32, #tpu.memory_space<hbm>>) target(%arg13 : memref<128x1x64xf32, #tpu.memory_space<vmem>>) offsets(%dma_start3A_449 : memref<128xi32, #tpu.memory_space<vmem>>) semaphore(%arg24 : memref<!tpu.dma_semaphore, #tpu.memory_space<semaphore_mem>>) {add = true}
      %add3A_454 = arith.addi %mul3A_2, %add3A_437 : i32
      %mul3A_455 = arith.constant 256 : i32
      %mul3A_456 = arith.muli %add3A_454, %mul3A_455 : i32
      %iota3A_457 = tpu.iota {dimensions = array<i32: 0>} : vector<16xi32>
      %mul3A_458 = arith.constant 2 : i32
      %mul3A_459 = vector.broadcast %mul3A_458 : i32 to vector<16xi32>
      %mul3A_460 = arith.muli %iota3A_457, %mul3A_459 : vector<16xi32>
      %add3A_461 = arith.constant 0 : i32
      %add3A_462 = arith.addi %mul3A_456, %add3A_461 : i32
      %add3A_463 = vector.broadcast %add3A_462 : i32 to vector<16xi32>
      %add3A_464 = arith.addi %mul3A_460, %add3A_463 : vector<16xi32>
      %swap3A_465 = arith.constant 3 : i32
      %swap3A_466 = arith.index_cast %swap3A_465 : i32 to index
      %swap3A_467 = arith.constant 0 : index
      %swap3A_468 = tpu.vector_load %arg9[%swap3A_466, %swap3A_467] {strides = array<i32>} : memref<5x128xi32, #tpu.memory_space<vmem>>, vector<1x16xi32>,
      %swap3A_469 = vector.shape_cast %swap3A_468 : vector<1x16xi32> to vector<16xi32>
      %swap3A_470 = vector.shape_cast %add3A_464 : vector<16xi32> to vector<1x16xi32>
      tpu.vector_store %arg9[%swap3A_466, %swap3A_467], %swap3A_470 {strides = array<i32>} : memref<5x128xi32, #tpu.memory_space<vmem>>, vector<1x16xi32>,
      %add3A_471 = arith.constant 32 : i32
      %add3A_472 = arith.addi %mul3A_456, %add3A_471 : i32
      %add3A_473 = vector.broadcast %add3A_472 : i32 to vector<16xi32>
      %add3A_474 = arith.addi %mul3A_460, %add3A_473 : vector<16xi32>
      %swap3A_475 = arith.constant 3 : i32
      %swap3A_476 = arith.index_cast %swap3A_475 : i32 to index
      %swap3A_477 = arith.constant 16 : index
      %swap3A_478 = tpu.vector_load %arg9[%swap3A_476, %swap3A_477] {strides = array<i32>} : memref<5x128xi32, #tpu.memory_space<vmem>>, vector<1x16xi32>,
      %swap3A_479 = vector.shape_cast %swap3A_478 : vector<1x16xi32> to vector<16xi32>
      %swap3A_480 = vector.shape_cast %add3A_474 : vector<16xi32> to vector<1x16xi32>
      tpu.vector_store %arg9[%swap3A_476, %swap3A_477], %swap3A_480 {strides = array<i32>} : memref<5x128xi32, #tpu.memory_space<vmem>>, vector<1x16xi32>,
      %add3A_481 = arith.constant 64 : i32
      %add3A_482 = arith.addi %mul3A_456, %add3A_481 : i32
      %add3A_483 = vector.broadcast %add3A_482 : i32 to vector<16xi32>
      %add3A_484 = arith.addi %mul3A_460, %add3A_483 : vector<16xi32>
      %swap3A_485 = arith.constant 3 : i32
      %swap3A_486 = arith.index_cast %swap3A_485 : i32 to index
      %swap3A_487 = arith.constant 32 : index
      %swap3A_488 = tpu.vector_load %arg9[%swap3A_486, %swap3A_487] {strides = array<i32>} : memref<5x128xi32, #tpu.memory_space<vmem>>, vector<1x16xi32>,
      %swap3A_489 = vector.shape_cast %swap3A_488 : vector<1x16xi32> to vector<16xi32>
      %swap3A_490 = vector.shape_cast %add3A_484 : vector<16xi32> to vector<1x16xi32>
      tpu.vector_store %arg9[%swap3A_486, %swap3A_487], %swap3A_490 {strides = array<i32>} : memref<5x128xi32, #tpu.memory_space<vmem>>, vector<1x16xi32>,
      %add3A_491 = arith.constant 96 : i32
      %add3A_492 = arith.addi %mul3A_456, %add3A_491 : i32
      %add3A_493 = vector.broadcast %add3A_492 : i32 to vector<16xi32>
      %add3A_494 = arith.addi %mul3A_460, %add3A_493 : vector<16xi32>
      %swap3A_495 = arith.constant 3 : i32
      %swap3A_496 = arith.index_cast %swap3A_495 : i32 to index
      %swap3A_497 = arith.constant 48 : index
      %swap3A_498 = tpu.vector_load %arg9[%swap3A_496, %swap3A_497] {strides = array<i32>} : memref<5x128xi32, #tpu.memory_space<vmem>>, vector<1x16xi32>,
      %swap3A_499 = vector.shape_cast %swap3A_498 : vector<1x16xi32> to vector<16xi32>
      %swap3A_500 = vector.shape_cast %add3A_494 : vector<16xi32> to vector<1x16xi32>
      tpu.vector_store %arg9[%swap3A_496, %swap3A_497], %swap3A_500 {strides = array<i32>} : memref<5x128xi32, #tpu.memory_space<vmem>>, vector<1x16xi32>,
      %add3A_501 = arith.constant 128 : i32
      %add3A_502 = arith.addi %mul3A_456, %add3A_501 : i32
      %add3A_503 = vector.broadcast %add3A_502 : i32 to vector<16xi32>
      %add3A_504 = arith.addi %mul3A_460, %add3A_503 : vector<16xi32>
      %swap3A_505 = arith.constant 3 : i32
      %swap3A_506 = arith.index_cast %swap3A_505 : i32 to index
      %swap3A_507 = arith.constant 64 : index
      %swap3A_508 = tpu.vector_load %arg9[%swap3A_506, %swap3A_507] {strides = array<i32>} : memref<5x128xi32, #tpu.memory_space<vmem>>, vector<1x16xi32>,
      %swap3A_509 = vector.shape_cast %swap3A_508 : vector<1x16xi32> to vector<16xi32>
      %swap3A_510 = vector.shape_cast %add3A_504 : vector<16xi32> to vector<1x16xi32>
      tpu.vector_store %arg9[%swap3A_506, %swap3A_507], %swap3A_510 {strides = array<i32>} : memref<5x128xi32, #tpu.memory_space<vmem>>, vector<1x16xi32>,
      %add3A_511 = arith.constant 160 : i32
      %add3A_512 = arith.addi %mul3A_456, %add3A_511 : i32
      %add3A_513 = vector.broadcast %add3A_512 : i32 to vector<16xi32>
      %add3A_514 = arith.addi %mul3A_460, %add3A_513 : vector<16xi32>
      %swap3A_515 = arith.constant 3 : i32
      %swap3A_516 = arith.index_cast %swap3A_515 : i32 to index
      %swap3A_517 = arith.constant 80 : index
      %swap3A_518 = tpu.vector_load %arg9[%swap3A_516, %swap3A_517] {strides = array<i32>} : memref<5x128xi32, #tpu.memory_space<vmem>>, vector<1x16xi32>,
      %swap3A_519 = vector.shape_cast %swap3A_518 : vector<1x16xi32> to vector<16xi32>
      %swap3A_520 = vector.shape_cast %add3A_514 : vector<16xi32> to vector<1x16xi32>
      tpu.vector_store %arg9[%swap3A_516, %swap3A_517], %swap3A_520 {strides = array<i32>} : memref<5x128xi32, #tpu.memory_space<vmem>>, vector<1x16xi32>,
      %add3A_521 = arith.constant 192 : i32
      %add3A_522 = arith.addi %mul3A_456, %add3A_521 : i32
      %add3A_523 = vector.broadcast %add3A_522 : i32 to vector<16xi32>
      %add3A_524 = arith.addi %mul3A_460, %add3A_523 : vector<16xi32>
      %swap3A_525 = arith.constant 3 : i32
      %swap3A_526 = arith.index_cast %swap3A_525 : i32 to index
      %swap3A_527 = arith.constant 96 : index
      %swap3A_528 = tpu.vector_load %arg9[%swap3A_526, %swap3A_527] {strides = array<i32>} : memref<5x128xi32, #tpu.memory_space<vmem>>, vector<1x16xi32>,
      %swap3A_529 = vector.shape_cast %swap3A_528 : vector<1x16xi32> to vector<16xi32>
      %swap3A_530 = vector.shape_cast %add3A_524 : vector<16xi32> to vector<1x16xi32>
      tpu.vector_store %arg9[%swap3A_526, %swap3A_527], %swap3A_530 {strides = array<i32>} : memref<5x128xi32, #tpu.memory_space<vmem>>, vector<1x16xi32>,
      %add3A_531 = arith.constant 224 : i32
      %add3A_532 = arith.addi %mul3A_456, %add3A_531 : i32
      %add3A_533 = vector.broadcast %add3A_532 : i32 to vector<16xi32>
      %add3A_534 = arith.addi %mul3A_460, %add3A_533 : vector<16xi32>
      %swap3A_535 = arith.constant 3 : i32
      %swap3A_536 = arith.index_cast %swap3A_535 : i32 to index
      %swap3A_537 = arith.constant 112 : index
      %swap3A_538 = tpu.vector_load %arg9[%swap3A_536, %swap3A_537] {strides = array<i32>} : memref<5x128xi32, #tpu.memory_space<vmem>>, vector<1x16xi32>,
      %swap3A_539 = vector.shape_cast %swap3A_538 : vector<1x16xi32> to vector<16xi32>
      %swap3A_540 = vector.shape_cast %add3A_534 : vector<16xi32> to vector<1x16xi32>
      tpu.vector_store %arg9[%swap3A_536, %swap3A_537], %swap3A_540 {strides = array<i32>} : memref<5x128xi32, #tpu.memory_space<vmem>>, vector<1x16xi32>,
      %ge3A_541 = arith.constant 4 : i32
      %ge3A_542 = arith.cmpi sge, %add3A_437, %ge3A_541 : i32
      %convert_element_type3A_543 = arith.extui %ge3A_542 : i1 to i32
      %cond3A_544 = arith.constant 0 : i32
      %cond3A_545 = arith.cmpi ne, %convert_element_type3A_543, %cond3A_544 : i32
      scf.if %cond3A_545 {
        %sub3A = arith.constant 4 : i32
        %sub3A_682 = arith.subi %add3A_437, %sub3A : i32
        %max3A = arith.constant 0 : i32
        %max3A_683 = arith.maxsi %sub3A_682, %max3A : i32
        %dma_wait3A_684 = arith.constant 4 : i32
        %dma_wait3A_685 = arith.constant 0 : i32
        %dma_wait3A_686 = tpu.memref_slice %arg9[%dma_wait3A_684, %dma_wait3A_685] : memref<5x128xi32, #tpu.memory_space<vmem>> -> memref<1x128xi32, #tpu.memory_space<vmem>>
        %dma_wait3A_687 = tpu.memref_squeeze %dma_wait3A_686 : memref<1x128xi32, #tpu.memory_space<vmem>> -> memref<128xi32, #tpu.memory_space<vmem>>
        %dma_wait3A_688 = arith.constant 0 : i32
        %dma_wait3A_689 = arith.constant 0 : i32
        %dma_wait3A_690 = arith.constant 0 : i32
        %dma_wait3A_691 = tpu.memref_slice %arg6[%dma_wait3A_688, %dma_wait3A_689, %dma_wait3A_690] : memref<819200x1x64xf32, #tpu.memory_space<hbm>> -> memref<819200x1x64xf32, #tpu.memory_space<hbm>>
        tpu.wait_indirect_dma semaphore(%arg30 : memref<!tpu.dma_semaphore, #tpu.memory_space<semaphore_mem>>) src(%arg14 : memref<128x1x64xf32, #tpu.memory_space<vmem>>) dst(%dma_wait3A_691 : memref<819200x1x64xf32, #tpu.memory_space<hbm>>)
      } else {
      }
      %add3A_546 = arith.constant 1 : i32
      %add3A_547 = arith.addi %add3A_437, %add3A_546 : i32
      %le3A_548 = arith.constant 199 : i32
      %le3A_549 = arith.cmpi sle, %add3A_547, %le3A_548 : i32
      %convert_element_type3A_550 = arith.extui %le3A_549 : i1 to i32
      %cond3A_551 = arith.constant 0 : i32
      %cond3A_552 = arith.cmpi ne, %convert_element_type3A_550, %cond3A_551 : i32
      scf.if %cond3A_552 {
        %add3A_682 = arith.constant 1 : i32
        %add3A_683 = arith.addi %add3A_437, %add3A_682 : i32
        %rem3A_684 = arith.constant 25 : i32
        %rem3A_685 = arith.remsi %add3A_683, %rem3A_684 : i32
        %dma_start3A_686 = arith.constant 0 : i32
        %dma_start3A_687 = tpu.memref_slice %arg8[%rem3A_685, %dma_start3A_686] : memref<25x128xi32, #tpu.memory_space<vmem>> -> memref<1x128xi32, #tpu.memory_space<vmem>>
        %dma_start3A_688 = tpu.memref_squeeze %dma_start3A_687 : memref<1x128xi32, #tpu.memory_space<vmem>> -> memref<128xi32, #tpu.memory_space<vmem>>
        %dma_start3A_689 = arith.constant 0 : i32
        %dma_start3A_690 = arith.constant 0 : i32
        %dma_start3A_691 = arith.constant 0 : i32
        %dma_start3A_692 = tpu.memref_slice %arg3[%dma_start3A_689, %dma_start3A_690, %dma_start3A_691] : memref<200x1x64xf32, #tpu.memory_space<hbm>> -> memref<200x1x64xf32, #tpu.memory_space<hbm>>
        tpu.enqueue_indirect_dma source(%dma_start3A_692 : memref<200x1x64xf32, #tpu.memory_space<hbm>>) target(%arg14 : memref<128x1x64xf32, #tpu.memory_space<vmem>>) offsets(%dma_start3A_688 : memref<128xi32, #tpu.memory_space<vmem>>) semaphore(%arg20 : memref<!tpu.dma_semaphore, #tpu.memory_space<semaphore_mem>>)
      } else {
      }
      %ge3A_553 = arith.constant 1 : i32
      %ge3A_554 = arith.cmpi sge, %add3A_437, %ge3A_553 : i32
      %convert_element_type3A_555 = arith.extui %ge3A_554 : i1 to i32
      %cond3A_556 = arith.constant 0 : i32
      %cond3A_557 = arith.cmpi ne, %convert_element_type3A_555, %cond3A_556 : i32
      scf.if %cond3A_557 {
        %sub3A = arith.constant 1 : i32
        %sub3A_682 = arith.subi %add3A_437, %sub3A : i32
        %max3A = arith.constant 0 : i32
        %max3A_683 = arith.maxsi %sub3A_682, %max3A : i32
        %dma_wait3A_684 = arith.constant 0 : i32
        %dma_wait3A_685 = tpu.memref_slice %arg7[%max3A_683, %dma_wait3A_684] : memref<200x128xi32, #tpu.memory_space<vmem>> -> memref<1x128xi32, #tpu.memory_space<vmem>>
        %dma_wait3A_686 = tpu.memref_squeeze %dma_wait3A_685 : memref<1x128xi32, #tpu.memory_space<vmem>> -> memref<128xi32, #tpu.memory_space<vmem>>
        %dma_wait3A_687 = arith.constant 0 : i32
        %dma_wait3A_688 = arith.constant 0 : i32
        %dma_wait3A_689 = arith.constant 0 : i32
        %dma_wait3A_690 = tpu.memref_slice %arg2[%dma_wait3A_687, %dma_wait3A_688, %dma_wait3A_689] : memref<1000000x1x64xf32, #tpu.memory_space<hbm>> -> memref<1000000x1x64xf32, #tpu.memory_space<hbm>>
        tpu.wait_indirect_dma semaphore(%arg23 : memref<!tpu.dma_semaphore, #tpu.memory_space<semaphore_mem>>) src(%dma_wait3A_690 : memref<1000000x1x64xf32, #tpu.memory_space<hbm>>) dst(%arg12 : memref<128x1x64xf32, #tpu.memory_space<vmem>>)
        %dma_start3A_691 = arith.constant 2 : i32
        %dma_start3A_692 = arith.constant 0 : i32
        %dma_start3A_693 = tpu.memref_slice %arg9[%dma_start3A_691, %dma_start3A_692] : memref<5x128xi32, #tpu.memory_space<vmem>> -> memref<1x128xi32, #tpu.memory_space<vmem>>
        %dma_start3A_694 = tpu.memref_squeeze %dma_start3A_693 : memref<1x128xi32, #tpu.memory_space<vmem>> -> memref<128xi32, #tpu.memory_space<vmem>>
        %dma_start3A_695 = arith.constant 0 : i32
        %dma_start3A_696 = arith.constant 0 : i32
        %dma_start3A_697 = arith.constant 0 : i32
        %dma_start3A_698 = tpu.memref_slice %arg6[%dma_start3A_695, %dma_start3A_696, %dma_start3A_697] : memref<819200x1x64xf32, #tpu.memory_space<hbm>> -> memref<819200x1x64xf32, #tpu.memory_space<hbm>>
        tpu.enqueue_indirect_dma source(%arg12 : memref<128x1x64xf32, #tpu.memory_space<vmem>>) target(%dma_start3A_698 : memref<819200x1x64xf32, #tpu.memory_space<hbm>>) offsets(%dma_start3A_694 : memref<128xi32, #tpu.memory_space<vmem>>) semaphore(%arg28 : memref<!tpu.dma_semaphore, #tpu.memory_space<semaphore_mem>>)
      } else {
      }
      %mul3A_558 = arith.constant 5 : i32
      %mul3A_559 = arith.muli %scan3A_65, %mul3A_558 : i32
      %add3A_560 = arith.constant 4 : i32
      %add3A_561 = arith.addi %mul3A_559, %add3A_560 : i32
      %rem3A_562 = arith.constant 25 : i32
      %rem3A_563 = arith.remsi %add3A_561, %rem3A_562 : i32
      %dma_wait3A_564 = arith.constant 0 : i32
      %dma_wait3A_565 = tpu.memref_slice %arg8[%rem3A_563, %dma_wait3A_564] : memref<25x128xi32, #tpu.memory_space<vmem>> -> memref<1x128xi32, #tpu.memory_space<vmem>>
      %dma_wait3A_566 = tpu.memref_squeeze %dma_wait3A_565 : memref<1x128xi32, #tpu.memory_space<vmem>> -> memref<128xi32, #tpu.memory_space<vmem>>
      %dma_wait3A_567 = arith.constant 0 : i32
      %dma_wait3A_568 = arith.constant 0 : i32
      %dma_wait3A_569 = arith.constant 0 : i32
      %dma_wait3A_570 = tpu.memref_slice %arg3[%dma_wait3A_567, %dma_wait3A_568, %dma_wait3A_569] : memref<200x1x64xf32, #tpu.memory_space<hbm>> -> memref<200x1x64xf32, #tpu.memory_space<hbm>>
      tpu.wait_indirect_dma semaphore(%arg20 : memref<!tpu.dma_semaphore, #tpu.memory_space<semaphore_mem>>) src(%dma_wait3A_570 : memref<200x1x64xf32, #tpu.memory_space<hbm>>) dst(%arg14 : memref<128x1x64xf32, #tpu.memory_space<vmem>>)
      %dma_start3A_571 = arith.constant 0 : i32
      %dma_start3A_572 = tpu.memref_slice %arg7[%add3A_561, %dma_start3A_571] : memref<200x128xi32, #tpu.memory_space<vmem>> -> memref<1x128xi32, #tpu.memory_space<vmem>>
      %dma_start3A_573 = tpu.memref_squeeze %dma_start3A_572 : memref<1x128xi32, #tpu.memory_space<vmem>> -> memref<128xi32, #tpu.memory_space<vmem>>
      %dma_start3A_574 = arith.constant 0 : i32
      %dma_start3A_575 = arith.constant 0 : i32
      %dma_start3A_576 = arith.constant 0 : i32
      %dma_start3A_577 = tpu.memref_slice %arg2[%dma_start3A_574, %dma_start3A_575, %dma_start3A_576] : memref<1000000x1x64xf32, #tpu.memory_space<hbm>> -> memref<1000000x1x64xf32, #tpu.memory_space<hbm>>
      tpu.enqueue_indirect_dma source(%dma_start3A_577 : memref<1000000x1x64xf32, #tpu.memory_space<hbm>>) target(%arg14 : memref<128x1x64xf32, #tpu.memory_space<vmem>>) offsets(%dma_start3A_573 : memref<128xi32, #tpu.memory_space<vmem>>) semaphore(%arg25 : memref<!tpu.dma_semaphore, #tpu.memory_space<semaphore_mem>>) {add = true}
      %add3A_578 = arith.addi %mul3A_2, %add3A_561 : i32
      %mul3A_579 = arith.constant 256 : i32
      %mul3A_580 = arith.muli %add3A_578, %mul3A_579 : i32
      %iota3A_581 = tpu.iota {dimensions = array<i32: 0>} : vector<16xi32>
      %mul3A_582 = arith.constant 2 : i32
      %mul3A_583 = vector.broadcast %mul3A_582 : i32 to vector<16xi32>
      %mul3A_584 = arith.muli %iota3A_581, %mul3A_583 : vector<16xi32>
      %add3A_585 = arith.constant 0 : i32
      %add3A_586 = arith.addi %mul3A_580, %add3A_585 : i32
      %add3A_587 = vector.broadcast %add3A_586 : i32 to vector<16xi32>
      %add3A_588 = arith.addi %mul3A_584, %add3A_587 : vector<16xi32>
      %swap3A_589 = arith.constant 4 : i32
      %swap3A_590 = arith.index_cast %swap3A_589 : i32 to index
      %swap3A_591 = arith.constant 0 : index
      %swap3A_592 = tpu.vector_load %arg9[%swap3A_590, %swap3A_591] {strides = array<i32>} : memref<5x128xi32, #tpu.memory_space<vmem>>, vector<1x16xi32>,
      %swap3A_593 = vector.shape_cast %swap3A_592 : vector<1x16xi32> to vector<16xi32>
      %swap3A_594 = vector.shape_cast %add3A_588 : vector<16xi32> to vector<1x16xi32>
      tpu.vector_store %arg9[%swap3A_590, %swap3A_591], %swap3A_594 {strides = array<i32>} : memref<5x128xi32, #tpu.memory_space<vmem>>, vector<1x16xi32>,
      %add3A_595 = arith.constant 32 : i32
      %add3A_596 = arith.addi %mul3A_580, %add3A_595 : i32
      %add3A_597 = vector.broadcast %add3A_596 : i32 to vector<16xi32>
      %add3A_598 = arith.addi %mul3A_584, %add3A_597 : vector<16xi32>
      %swap3A_599 = arith.constant 4 : i32
      %swap3A_600 = arith.index_cast %swap3A_599 : i32 to index
      %swap3A_601 = arith.constant 16 : index
      %swap3A_602 = tpu.vector_load %arg9[%swap3A_600, %swap3A_601] {strides = array<i32>} : memref<5x128xi32, #tpu.memory_space<vmem>>, vector<1x16xi32>,
      %swap3A_603 = vector.shape_cast %swap3A_602 : vector<1x16xi32> to vector<16xi32>
      %swap3A_604 = vector.shape_cast %add3A_598 : vector<16xi32> to vector<1x16xi32>
      tpu.vector_store %arg9[%swap3A_600, %swap3A_601], %swap3A_604 {strides = array<i32>} : memref<5x128xi32, #tpu.memory_space<vmem>>, vector<1x16xi32>,
      %add3A_605 = arith.constant 64 : i32
      %add3A_606 = arith.addi %mul3A_580, %add3A_605 : i32
      %add3A_607 = vector.broadcast %add3A_606 : i32 to vector<16xi32>
      %add3A_608 = arith.addi %mul3A_584, %add3A_607 : vector<16xi32>
      %swap3A_609 = arith.constant 4 : i32
      %swap3A_610 = arith.index_cast %swap3A_609 : i32 to index
      %swap3A_611 = arith.constant 32 : index
      %swap3A_612 = tpu.vector_load %arg9[%swap3A_610, %swap3A_611] {strides = array<i32>} : memref<5x128xi32, #tpu.memory_space<vmem>>, vector<1x16xi32>,
      %swap3A_613 = vector.shape_cast %swap3A_612 : vector<1x16xi32> to vector<16xi32>
      %swap3A_614 = vector.shape_cast %add3A_608 : vector<16xi32> to vector<1x16xi32>
      tpu.vector_store %arg9[%swap3A_610, %swap3A_611], %swap3A_614 {strides = array<i32>} : memref<5x128xi32, #tpu.memory_space<vmem>>, vector<1x16xi32>,
      %add3A_615 = arith.constant 96 : i32
      %add3A_616 = arith.addi %mul3A_580, %add3A_615 : i32
      %add3A_617 = vector.broadcast %add3A_616 : i32 to vector<16xi32>
      %add3A_618 = arith.addi %mul3A_584, %add3A_617 : vector<16xi32>
      %swap3A_619 = arith.constant 4 : i32
      %swap3A_620 = arith.index_cast %swap3A_619 : i32 to index
      %swap3A_621 = arith.constant 48 : index
      %swap3A_622 = tpu.vector_load %arg9[%swap3A_620, %swap3A_621] {strides = array<i32>} : memref<5x128xi32, #tpu.memory_space<vmem>>, vector<1x16xi32>,
      %swap3A_623 = vector.shape_cast %swap3A_622 : vector<1x16xi32> to vector<16xi32>
      %swap3A_624 = vector.shape_cast %add3A_618 : vector<16xi32> to vector<1x16xi32>
      tpu.vector_store %arg9[%swap3A_620, %swap3A_621], %swap3A_624 {strides = array<i32>} : memref<5x128xi32, #tpu.memory_space<vmem>>, vector<1x16xi32>,
      %add3A_625 = arith.constant 128 : i32
      %add3A_626 = arith.addi %mul3A_580, %add3A_625 : i32
      %add3A_627 = vector.broadcast %add3A_626 : i32 to vector<16xi32>
      %add3A_628 = arith.addi %mul3A_584, %add3A_627 : vector<16xi32>
      %swap3A_629 = arith.constant 4 : i32
      %swap3A_630 = arith.index_cast %swap3A_629 : i32 to index
      %swap3A_631 = arith.constant 64 : index
      %swap3A_632 = tpu.vector_load %arg9[%swap3A_630, %swap3A_631] {strides = array<i32>} : memref<5x128xi32, #tpu.memory_space<vmem>>, vector<1x16xi32>,
      %swap3A_633 = vector.shape_cast %swap3A_632 : vector<1x16xi32> to vector<16xi32>
      %swap3A_634 = vector.shape_cast %add3A_628 : vector<16xi32> to vector<1x16xi32>
      tpu.vector_store %arg9[%swap3A_630, %swap3A_631], %swap3A_634 {strides = array<i32>} : memref<5x128xi32, #tpu.memory_space<vmem>>, vector<1x16xi32>,
      %add3A_635 = arith.constant 160 : i32
      %add3A_636 = arith.addi %mul3A_580, %add3A_635 : i32
      %add3A_637 = vector.broadcast %add3A_636 : i32 to vector<16xi32>
      %add3A_638 = arith.addi %mul3A_584, %add3A_637 : vector<16xi32>
      %swap3A_639 = arith.constant 4 : i32
      %swap3A_640 = arith.index_cast %swap3A_639 : i32 to index
      %swap3A_641 = arith.constant 80 : index
      %swap3A_642 = tpu.vector_load %arg9[%swap3A_640, %swap3A_641] {strides = array<i32>} : memref<5x128xi32, #tpu.memory_space<vmem>>, vector<1x16xi32>,
      %swap3A_643 = vector.shape_cast %swap3A_642 : vector<1x16xi32> to vector<16xi32>
      %swap3A_644 = vector.shape_cast %add3A_638 : vector<16xi32> to vector<1x16xi32>
      tpu.vector_store %arg9[%swap3A_640, %swap3A_641], %swap3A_644 {strides = array<i32>} : memref<5x128xi32, #tpu.memory_space<vmem>>, vector<1x16xi32>,
      %add3A_645 = arith.constant 192 : i32
      %add3A_646 = arith.addi %mul3A_580, %add3A_645 : i32
      %add3A_647 = vector.broadcast %add3A_646 : i32 to vector<16xi32>
      %add3A_648 = arith.addi %mul3A_584, %add3A_647 : vector<16xi32>
      %swap3A_649 = arith.constant 4 : i32
      %swap3A_650 = arith.index_cast %swap3A_649 : i32 to index
      %swap3A_651 = arith.constant 96 : index
      %swap3A_652 = tpu.vector_load %arg9[%swap3A_650, %swap3A_651] {strides = array<i32>} : memref<5x128xi32, #tpu.memory_space<vmem>>, vector<1x16xi32>,
      %swap3A_653 = vector.shape_cast %swap3A_652 : vector<1x16xi32> to vector<16xi32>
      %swap3A_654 = vector.shape_cast %add3A_648 : vector<16xi32> to vector<1x16xi32>
      tpu.vector_store %arg9[%swap3A_650, %swap3A_651], %swap3A_654 {strides = array<i32>} : memref<5x128xi32, #tpu.memory_space<vmem>>, vector<1x16xi32>,
      %add3A_655 = arith.constant 224 : i32
      %add3A_656 = arith.addi %mul3A_580, %add3A_655 : i32
      %add3A_657 = vector.broadcast %add3A_656 : i32 to vector<16xi32>
      %add3A_658 = arith.addi %mul3A_584, %add3A_657 : vector<16xi32>
      %swap3A_659 = arith.constant 4 : i32
      %swap3A_660 = arith.index_cast %swap3A_659 : i32 to index
      %swap3A_661 = arith.constant 112 : index
      %swap3A_662 = tpu.vector_load %arg9[%swap3A_660, %swap3A_661] {strides = array<i32>} : memref<5x128xi32, #tpu.memory_space<vmem>>, vector<1x16xi32>,
      %swap3A_663 = vector.shape_cast %swap3A_662 : vector<1x16xi32> to vector<16xi32>
      %swap3A_664 = vector.shape_cast %add3A_658 : vector<16xi32> to vector<1x16xi32>
      tpu.vector_store %arg9[%swap3A_660, %swap3A_661], %swap3A_664 {strides = array<i32>} : memref<5x128xi32, #tpu.memory_space<vmem>>, vector<1x16xi32>,
      %ge3A_665 = arith.constant 4 : i32
      %ge3A_666 = arith.cmpi sge, %add3A_561, %ge3A_665 : i32
      %convert_element_type3A_667 = arith.extui %ge3A_666 : i1 to i32
      %cond3A_668 = arith.constant 0 : i32
      %cond3A_669 = arith.cmpi ne, %convert_element_type3A_667, %cond3A_668 : i32
      scf.if %cond3A_669 {
        %sub3A = arith.constant 4 : i32
        %sub3A_682 = arith.subi %add3A_561, %sub3A : i32
        %max3A = arith.constant 0 : i32
        %max3A_683 = arith.maxsi %sub3A_682, %max3A : i32
        %dma_wait3A_684 = arith.constant 0 : i32
        %dma_wait3A_685 = arith.constant 0 : i32
        %dma_wait3A_686 = tpu.memref_slice %arg9[%dma_wait3A_684, %dma_wait3A_685] : memref<5x128xi32, #tpu.memory_space<vmem>> -> memref<1x128xi32, #tpu.memory_space<vmem>>
        %dma_wait3A_687 = tpu.memref_squeeze %dma_wait3A_686 : memref<1x128xi32, #tpu.memory_space<vmem>> -> memref<128xi32, #tpu.memory_space<vmem>>
        %dma_wait3A_688 = arith.constant 0 : i32
        %dma_wait3A_689 = arith.constant 0 : i32
        %dma_wait3A_690 = arith.constant 0 : i32
        %dma_wait3A_691 = tpu.memref_slice %arg6[%dma_wait3A_688, %dma_wait3A_689, %dma_wait3A_690] : memref<819200x1x64xf32, #tpu.memory_space<hbm>> -> memref<819200x1x64xf32, #tpu.memory_space<hbm>>
        tpu.wait_indirect_dma semaphore(%arg26 : memref<!tpu.dma_semaphore, #tpu.memory_space<semaphore_mem>>) src(%arg10 : memref<128x1x64xf32, #tpu.memory_space<vmem>>) dst(%dma_wait3A_691 : memref<819200x1x64xf32, #tpu.memory_space<hbm>>)
      } else {
      }
      %add3A_670 = arith.constant 1 : i32
      %add3A_671 = arith.addi %add3A_561, %add3A_670 : i32
      %le3A_672 = arith.constant 199 : i32
      %le3A_673 = arith.cmpi sle, %add3A_671, %le3A_672 : i32
      %convert_element_type3A_674 = arith.extui %le3A_673 : i1 to i32
      %cond3A_675 = arith.constant 0 : i32
      %cond3A_676 = arith.cmpi ne, %convert_element_type3A_674, %cond3A_675 : i32
      scf.if %cond3A_676 {
        %add3A_682 = arith.constant 1 : i32
        %add3A_683 = arith.addi %add3A_561, %add3A_682 : i32
        %rem3A_684 = arith.constant 25 : i32
        %rem3A_685 = arith.remsi %add3A_683, %rem3A_684 : i32
        %dma_start3A_686 = arith.constant 0 : i32
        %dma_start3A_687 = tpu.memref_slice %arg8[%rem3A_685, %dma_start3A_686] : memref<25x128xi32, #tpu.memory_space<vmem>> -> memref<1x128xi32, #tpu.memory_space<vmem>>
        %dma_start3A_688 = tpu.memref_squeeze %dma_start3A_687 : memref<1x128xi32, #tpu.memory_space<vmem>> -> memref<128xi32, #tpu.memory_space<vmem>>
        %dma_start3A_689 = arith.constant 0 : i32
        %dma_start3A_690 = arith.constant 0 : i32
        %dma_start3A_691 = arith.constant 0 : i32
        %dma_start3A_692 = tpu.memref_slice %arg3[%dma_start3A_689, %dma_start3A_690, %dma_start3A_691] : memref<200x1x64xf32, #tpu.memory_space<hbm>> -> memref<200x1x64xf32, #tpu.memory_space<hbm>>
        tpu.enqueue_indirect_dma source(%dma_start3A_692 : memref<200x1x64xf32, #tpu.memory_space<hbm>>) target(%arg10 : memref<128x1x64xf32, #tpu.memory_space<vmem>>) offsets(%dma_start3A_688 : memref<128xi32, #tpu.memory_space<vmem>>) semaphore(%arg16 : memref<!tpu.dma_semaphore, #tpu.memory_space<semaphore_mem>>)
      } else {
      }
      %ge3A_677 = arith.constant 1 : i32
      %ge3A_678 = arith.cmpi sge, %add3A_561, %ge3A_677 : i32
      %convert_element_type3A_679 = arith.extui %ge3A_678 : i1 to i32
      %cond3A_680 = arith.constant 0 : i32
      %cond3A_681 = arith.cmpi ne, %convert_element_type3A_679, %cond3A_680 : i32
      scf.if %cond3A_681 {
        %sub3A = arith.constant 1 : i32
        %sub3A_682 = arith.subi %add3A_561, %sub3A : i32
        %max3A = arith.constant 0 : i32
        %max3A_683 = arith.maxsi %sub3A_682, %max3A : i32
        %dma_wait3A_684 = arith.constant 0 : i32
        %dma_wait3A_685 = tpu.memref_slice %arg7[%max3A_683, %dma_wait3A_684] : memref<200x128xi32, #tpu.memory_space<vmem>> -> memref<1x128xi32, #tpu.memory_space<vmem>>
        %dma_wait3A_686 = tpu.memref_squeeze %dma_wait3A_685 : memref<1x128xi32, #tpu.memory_space<vmem>> -> memref<128xi32, #tpu.memory_space<vmem>>
        %dma_wait3A_687 = arith.constant 0 : i32
        %dma_wait3A_688 = arith.constant 0 : i32
        %dma_wait3A_689 = arith.constant 0 : i32
        %dma_wait3A_690 = tpu.memref_slice %arg2[%dma_wait3A_687, %dma_wait3A_688, %dma_wait3A_689] : memref<1000000x1x64xf32, #tpu.memory_space<hbm>> -> memref<1000000x1x64xf32, #tpu.memory_space<hbm>>
        tpu.wait_indirect_dma semaphore(%arg24 : memref<!tpu.dma_semaphore, #tpu.memory_space<semaphore_mem>>) src(%dma_wait3A_690 : memref<1000000x1x64xf32, #tpu.memory_space<hbm>>) dst(%arg13 : memref<128x1x64xf32, #tpu.memory_space<vmem>>)
        %dma_start3A_691 = arith.constant 3 : i32
        %dma_start3A_692 = arith.constant 0 : i32
        %dma_start3A_693 = tpu.memref_slice %arg9[%dma_start3A_691, %dma_start3A_692] : memref<5x128xi32, #tpu.memory_space<vmem>> -> memref<1x128xi32, #tpu.memory_space<vmem>>
        %dma_start3A_694 = tpu.memref_squeeze %dma_start3A_693 : memref<1x128xi32, #tpu.memory_space<vmem>> -> memref<128xi32, #tpu.memory_space<vmem>>
        %dma_start3A_695 = arith.constant 0 : i32
        %dma_start3A_696 = arith.constant 0 : i32
        %dma_start3A_697 = arith.constant 0 : i32
        %dma_start3A_698 = tpu.memref_slice %arg6[%dma_start3A_695, %dma_start3A_696, %dma_start3A_697] : memref<819200x1x64xf32, #tpu.memory_space<hbm>> -> memref<819200x1x64xf32, #tpu.memory_space<hbm>>
        tpu.enqueue_indirect_dma source(%arg13 : memref<128x1x64xf32, #tpu.memory_space<vmem>>) target(%dma_start3A_698 : memref<819200x1x64xf32, #tpu.memory_space<hbm>>) offsets(%dma_start3A_694 : memref<128xi32, #tpu.memory_space<vmem>>) semaphore(%arg29 : memref<!tpu.dma_semaphore, #tpu.memory_space<semaphore_mem>>)
      } else {
      }
    }
    %scan3A_17 = arith.constant 40 : i32
    %dma_wait3A = arith.constant 199 : i32
    %dma_wait3A_18 = arith.constant 0 : i32
    %dma_wait3A_19 = tpu.memref_slice %arg7[%dma_wait3A, %dma_wait3A_18] : memref<200x128xi32, #tpu.memory_space<vmem>> -> memref<1x128xi32, #tpu.memory_space<vmem>>
    %dma_wait3A_20 = tpu.memref_squeeze %dma_wait3A_19 : memref<1x128xi32, #tpu.memory_space<vmem>> -> memref<128xi32, #tpu.memory_space<vmem>>
    %dma_wait3A_21 = arith.constant 0 : i32
    %dma_wait3A_22 = arith.constant 0 : i32
    %dma_wait3A_23 = arith.constant 0 : i32
    %dma_wait3A_24 = tpu.memref_slice %arg2[%dma_wait3A_21, %dma_wait3A_22, %dma_wait3A_23] : memref<1000000x1x64xf32, #tpu.memory_space<hbm>> -> memref<1000000x1x64xf32, #tpu.memory_space<hbm>>
    tpu.wait_indirect_dma semaphore(%arg25 : memref<!tpu.dma_semaphore, #tpu.memory_space<semaphore_mem>>) src(%dma_wait3A_24 : memref<1000000x1x64xf32, #tpu.memory_space<hbm>>) dst(%arg14 : memref<128x1x64xf32, #tpu.memory_space<vmem>>)
    %dma_start3A_25 = arith.constant 4 : i32
    %dma_start3A_26 = arith.constant 0 : i32
    %dma_start3A_27 = tpu.memref_slice %arg9[%dma_start3A_25, %dma_start3A_26] : memref<5x128xi32, #tpu.memory_space<vmem>> -> memref<1x128xi32, #tpu.memory_space<vmem>>
    %dma_start3A_28 = tpu.memref_squeeze %dma_start3A_27 : memref<1x128xi32, #tpu.memory_space<vmem>> -> memref<128xi32, #tpu.memory_space<vmem>>
    %dma_start3A_29 = arith.constant 0 : i32
    %dma_start3A_30 = arith.constant 0 : i32
    %dma_start3A_31 = arith.constant 0 : i32
    %dma_start3A_32 = tpu.memref_slice %arg6[%dma_start3A_29, %dma_start3A_30, %dma_start3A_31] : memref<819200x1x64xf32, #tpu.memory_space<hbm>> -> memref<819200x1x64xf32, #tpu.memory_space<hbm>>
    tpu.enqueue_indirect_dma source(%arg14 : memref<128x1x64xf32, #tpu.memory_space<vmem>>) target(%dma_start3A_32 : memref<819200x1x64xf32, #tpu.memory_space<hbm>>) offsets(%dma_start3A_28 : memref<128xi32, #tpu.memory_space<vmem>>) semaphore(%arg30 : memref<!tpu.dma_semaphore, #tpu.memory_space<semaphore_mem>>)
    %dma_wait3A_33 = arith.constant 1 : i32
    %dma_wait3A_34 = arith.constant 0 : i32
    %dma_wait3A_35 = tpu.memref_slice %arg9[%dma_wait3A_33, %dma_wait3A_34] : memref<5x128xi32, #tpu.memory_space<vmem>> -> memref<1x128xi32, #tpu.memory_space<vmem>>
    %dma_wait3A_36 = tpu.memref_squeeze %dma_wait3A_35 : memref<1x128xi32, #tpu.memory_space<vmem>> -> memref<128xi32, #tpu.memory_space<vmem>>
    %dma_wait3A_37 = arith.constant 0 : i32
    %dma_wait3A_38 = arith.constant 0 : i32
    %dma_wait3A_39 = arith.constant 0 : i32
    %dma_wait3A_40 = tpu.memref_slice %arg6[%dma_wait3A_37, %dma_wait3A_38, %dma_wait3A_39] : memref<819200x1x64xf32, #tpu.memory_space<hbm>> -> memref<819200x1x64xf32, #tpu.memory_space<hbm>>
    tpu.wait_indirect_dma semaphore(%arg27 : memref<!tpu.dma_semaphore, #tpu.memory_space<semaphore_mem>>) src(%arg11 : memref<128x1x64xf32, #tpu.memory_space<vmem>>) dst(%dma_wait3A_40 : memref<819200x1x64xf32, #tpu.memory_space<hbm>>)
    %dma_wait3A_41 = arith.constant 2 : i32
    %dma_wait3A_42 = arith.constant 0 : i32
    %dma_wait3A_43 = tpu.memref_slice %arg9[%dma_wait3A_41, %dma_wait3A_42] : memref<5x128xi32, #tpu.memory_space<vmem>> -> memref<1x128xi32, #tpu.memory_space<vmem>>
    %dma_wait3A_44 = tpu.memref_squeeze %dma_wait3A_43 : memref<1x128xi32, #tpu.memory_space<vmem>> -> memref<128xi32, #tpu.memory_space<vmem>>
    %dma_wait3A_45 = arith.constant 0 : i32
    %dma_wait3A_46 = arith.constant 0 : i32
    %dma_wait3A_47 = arith.constant 0 : i32
    %dma_wait3A_48 = tpu.memref_slice %arg6[%dma_wait3A_45, %dma_wait3A_46, %dma_wait3A_47] : memref<819200x1x64xf32, #tpu.memory_space<hbm>> -> memref<819200x1x64xf32, #tpu.memory_space<hbm>>
    tpu.wait_indirect_dma semaphore(%arg28 : memref<!tpu.dma_semaphore, #tpu.memory_space<semaphore_mem>>) src(%arg12 : memref<128x1x64xf32, #tpu.memory_space<vmem>>) dst(%dma_wait3A_48 : memref<819200x1x64xf32, #tpu.memory_space<hbm>>)
    %dma_wait3A_49 = arith.constant 3 : i32
    %dma_wait3A_50 = arith.constant 0 : i32
    %dma_wait3A_51 = tpu.memref_slice %arg9[%dma_wait3A_49, %dma_wait3A_50] : memref<5x128xi32, #tpu.memory_space<vmem>> -> memref<1x128xi32, #tpu.memory_space<vmem>>
    %dma_wait3A_52 = tpu.memref_squeeze %dma_wait3A_51 : memref<1x128xi32, #tpu.memory_space<vmem>> -> memref<128xi32, #tpu.memory_space<vmem>>
    %dma_wait3A_53 = arith.constant 0 : i32
    %dma_wait3A_54 = arith.constant 0 : i32
    %dma_wait3A_55 = arith.constant 0 : i32
    %dma_wait3A_56 = tpu.memref_slice %arg6[%dma_wait3A_53, %dma_wait3A_54, %dma_wait3A_55] : memref<819200x1x64xf32, #tpu.memory_space<hbm>> -> memref<819200x1x64xf32, #tpu.memory_space<hbm>>
    tpu.wait_indirect_dma semaphore(%arg29 : memref<!tpu.dma_semaphore, #tpu.memory_space<semaphore_mem>>) src(%arg13 : memref<128x1x64xf32, #tpu.memory_space<vmem>>) dst(%dma_wait3A_56 : memref<819200x1x64xf32, #tpu.memory_space<hbm>>)
    %dma_wait3A_57 = arith.constant 4 : i32
    %dma_wait3A_58 = arith.constant 0 : i32
    %dma_wait3A_59 = tpu.memref_slice %arg9[%dma_wait3A_57, %dma_wait3A_58] : memref<5x128xi32, #tpu.memory_space<vmem>> -> memref<1x128xi32, #tpu.memory_space<vmem>>
    %dma_wait3A_60 = tpu.memref_squeeze %dma_wait3A_59 : memref<1x128xi32, #tpu.memory_space<vmem>> -> memref<128xi32, #tpu.memory_space<vmem>>
    %dma_wait3A_61 = arith.constant 0 : i32
    %dma_wait3A_62 = arith.constant 0 : i32
    %dma_wait3A_63 = arith.constant 0 : i32
    %dma_wait3A_64 = tpu.memref_slice %arg6[%dma_wait3A_61, %dma_wait3A_62, %dma_wait3A_63] : memref<819200x1x64xf32, #tpu.memory_space<hbm>> -> memref<819200x1x64xf32, #tpu.memory_space<hbm>>
    tpu.wait_indirect_dma semaphore(%arg30 : memref<!tpu.dma_semaphore, #tpu.memory_space<semaphore_mem>>) src(%arg14 : memref<128x1x64xf32, #tpu.memory_space<vmem>>) dst(%dma_wait3A_64 : memref<819200x1x64xf32, #tpu.memory_space<hbm>>)
    return
  }
}

</mosaic_0001>

<sc_bundles>
// kernel: kernel.3.cloned.1.call-start
scs
__scs_entry_jumppad:
0x0: {  	(pc) =	sbr.rel $0x88, $3  }
0x1: {  	(tag) =	ssettag $0x0;
	lr =	simm.s32 $0x1  }
0x2: {  	[smem:$0x3F9E] =	sst lr;
	_ =	strace $0xD0000000  }
0x3: {  	_ = 	snop  }
0x4: {  	_ = 	snop  }
0x5: {  	_ = 	snop  }
0x6: {  	_ = 	snop  }
0x7: {  	_ = 	snop  }
__scs_overlays_trampoline_lowered:
0x8: {  	[smem:$0x3FAD] =	sst s0  }
0x9: {  	[smem:$0x3FAE] =	sst s1  }
0xa: {  	[smem:$0x3FAF] =	sst s2  }
0xb: {  	[smem:$0x3FB0] =	sst s3  }
0xc: {  	[smem:$0x3FB1] =	sst s4  }
0xd: {  	[smem:$0x3FB2] =	sst s5  }
0xe: {  	[smem:$0x3FB3] =	sst s6  }
0xf: {  	[smem:$0x3FB4] =	sst s7  }
0x10: {  	[smem:$0x3FB5] =	sst s8  }
0x11: {  	[smem:$0x3FB6] =	sst s9;
	s0 =	simm.s32 @!p0 $0x0  }
0x12: {  	s1 =	sld [smem:$0x3F9C];
	s0 =	simm.s32 @p0 $0x1  }
0x13: {  	[smem:$0x3FB7] =	sst s0;
	s0 =	simm.s32 @!p1 $0x0  }
0x14: {  	s2 =	sld [smem:$0x3F9B];
	s0 =	simm.s32 @p1 $0x1  }
0x15: {  	[smem:$0x3FB8] =	sst s0;
	s0 =	simm.s32 @!p2 $0x0  }
0x16: {  	s3 =	sld [smem:$0x3FDB];
	s0 =	simm.s32 @p2 $0x1  }
0x17: {  	s4 =	simm.s32 $0x1BF5;
	[smem:$0x3FBA] =	sst s0  }
0x18: {  	s0 =	sld [smem:$0x3F9D];
	_ =	swait.ge [sflag:s4], $0x0  }
0x19: {  	s7 =	sld [smem:$0x3F9E]  }
0x1a: {  	s8 =	sadd.s32 $0xFFFFE003, lr  }
0x1b: {  	s9 =	sadd.s32 $0xFFFFFEF7, lr;
	s5 =	simm.s32 $0xFFFFFFFF;
	p2 =	slt.u32 s8, $0xFFFFF086  }
0x1c: {  	p1 =	slt.u32 s9, $0xF7A;
	s5 =	simm.s32 @!p2 $0x0  }
0x1d: {  	s5 =	simm.s32 @p1 $0x1;
	p0 =	seq.s32 s7, s2  }
0x1e: {  	s7 =	smul.u32 @!p0 $0xF7A, s2;
	p2 =	seq.s32 @!p0 s5, $0x0  }
0x1f: {  	s9 =	smul.u32 $0xF7A, s1;
	s8 =	simm.s32 @!p0 $0x1BF5;
	p2 =	por !p2, p0  }
0x20: {  	[sflag:s8] =	ssyncset.s32 @!p0 $0xFFFFF086;
	s6 =	sadd.s32 @!p0 s3, s7;
	s7 =	simm.s32 @!p0 $0x108  }
0x21: {  	s3 =	sadd.s32 s3, s9;
	s6 =	sadd.s32 @!p0 $0x88, s6;
	s7 =	simm.s32 @p2 $0x1082  }
0x22: {  	[simem:s7], [sflag:s8] =	dma.local @!p0 [hbm:s6], $0xF7A  }
0x23: {  	s9 =	sor.u32 $0xD0000000, s2;
	s6 =	simm.s32 $0x108;
	_ =	swait.ge @!p0 [sflag:s8], $0x0  }
0x24: {  	s3 =	sadd.s32 $0x88, s3;
	s6 =	simm.s32 @!p1 $0x1082;
	[sflag:s4] =	ssyncset.s32 $0xFFFFF086  }
0x25: {  	[simem:s6], [sflag:s4] =	dma.local [hbm:s3], $0xF7A  }
0x26: {  	[smem:$0x3F9E] =	sst s1;
	(tag) =	ssettag s2;
	_ =	strace s9  }
0x27: {  	s1 =	sld [smem:$0x3FAE]  }
0x28: {  	s2 =	sld [smem:$0x3FAF]  }
0x29: {  	s4 =	sld [smem:$0x3FB1]  }
0x2a: {  	p0 =	seq.s32 s5, $0x0;
	s5 =	sld [smem:$0x3FB2]  }
0x2b: {  	s6 =	sld [smem:$0x3FB3]  }
0x2c: {  	s7 =	sld [smem:$0x3FB4]  }
0x2d: {  	s3 =	simm.s32 $0x108;
	s8 =	sld [smem:$0x3FB5]  }
0x2e: {  	s3 =	simm.s32 @!p0 $0x1082;
	s9 =	sld [smem:$0x3FB6]  }
0x2f: {  	lr =	sadd.s32 s0, s3;
	s0 =	sld [smem:$0x3FAD]  }
0x30: {  	s3 =	sld [smem:$0x3FB0]  }
0x31: {  	[smem:$0x3FB9] =	sst s10  }
0x32: {  	s10 =	sld [smem:$0x3FB7];
	_ =	sdelay $0x3  }
0x33: {  	p0 =	seq.s32 s10, $0x1;
	s10 =	sld [smem:$0x3FB9];
	_ =	sdelay $0x3  }
0x34: {  	[smem:$0x3FB9] =	sst s10  }
0x35: {  	s10 =	sld [smem:$0x3FB8];
	_ =	sdelay $0x3  }
0x36: {  	p1 =	seq.s32 s10, $0x1;
	s10 =	sld [smem:$0x3FB9];
	_ =	sdelay $0x3  }
0x37: {  	[smem:$0x3FB9] =	sst s10  }
0x38: {  	s10 =	sld [smem:$0x3FBA]  }
0x39: {  	_ = 	snop;
	(pc) =	sbr.ind lr, $3  }
0x3a: {  	_ = 	snop  }
0x3b: {  	_ = 	snop  }
0x3c: {  	p2 =	seq.s32 s10, $0x1;
	s10 =	sld [smem:$0x3FB9]  }
0x3d: {  	_ =	shalt  }
0x3e: {  	_ =	shalt  }
0x3f: {  	_ =	shalt  }
0x40: {  	_ =	shalt  }
0x41: {  	_ =	shalt  }
0x42: {  	_ =	shalt  }
0x43: {  	_ =	shalt  }
0x44: {  	_ =	shalt  }
0x45: {  	_ =	shalt  }
0x46: {  	_ =	shalt  }
0x47: {  	_ =	shalt  }
0x48: {  	_ =	shalt  }
0x49: {  	_ =	shalt  }
0x4a: {  	_ =	shalt  }
0x4b: {  	_ =	shalt  }
0x4c: {  	_ =	shalt  }
0x4d: {  	_ =	shalt  }
0x4e: {  	_ =	shalt  }
0x4f: {  	_ =	shalt  }
0x50: {  	_ =	shalt  }
0x51: {  	_ =	shalt  }
0x52: {  	_ =	shalt  }
0x53: {  	_ =	shalt  }
0x54: {  	_ =	shalt  }
0x55: {  	_ =	shalt  }
0x56: {  	_ =	shalt  }
0x57: {  	_ =	shalt  }
0x58: {  	_ =	shalt  }
0x59: {  	_ =	shalt  }
0x5a: {  	_ =	shalt  }
0x5b: {  	_ =	shalt  }
0x5c: {  	_ =	shalt  }
0x5d: {  	_ =	shalt  }
0x5e: {  	_ =	shalt  }
0x5f: {  	_ =	shalt  }
0x60: {  	_ =	shalt  }
0x61: {  	_ =	shalt  }
0x62: {  	_ =	shalt  }
0x63: {  	_ =	shalt  }
0x64: {  	_ =	shalt  }
0x65: {  	_ =	shalt  }
0x66: {  	_ =	shalt  }
0x67: {  	_ =	shalt  }
0x68: {  	_ =	shalt  }
0x69: {  	_ =	shalt  }
0x6a: {  	_ =	shalt  }
0x6b: {  	_ =	shalt  }
0x6c: {  	_ =	shalt  }
0x6d: {  	_ =	shalt  }
0x6e: {  	_ =	shalt  }
0x6f: {  	_ =	shalt  }
0x70: {  	_ =	shalt  }
0x71: {  	_ =	shalt  }
0x72: {  	_ =	shalt  }
0x73: {  	_ =	shalt  }
0x74: {  	_ =	shalt  }
0x75: {  	_ =	shalt  }
0x76: {  	_ =	shalt  }
0x77: {  	_ =	shalt  }
0x78: {  	_ =	shalt  }
0x79: {  	_ =	shalt  }
0x7a: {  	_ =	shalt  }
0x7b: {  	_ =	shalt  }
0x7c: {  	_ =	shalt  }
0x7d: {  	_ =	shalt  }
0x7e: {  	_ =	shalt  }
0x7f: {  	_ =	shalt  }
0x80: {  	_ =	shalt  }
0x81: {  	_ =	shalt  }
0x82: {  	_ =	shalt  }
0x83: {  	_ =	shalt  }
0x84: {  	_ =	shalt  }
0x85: {  	_ =	shalt  }
0x86: {  	_ =	shalt  }
0x87: {  	_ =	shalt  }
.Lfunc_end0:
.L_simem_size_0:
called_computation.1_lowered:
.L_overlay_start_0:
0x88: {  	s2 =	sld [smem:$0x3FD9]  }
0x89: {  	s3 =	sld [smem:$0x3FFE];
	_ =	sdelay $0x1  }
0x8a: {  	s1 =	srdreg.scid  }
0x8b: {  	s0 =	sand.u32 $0x1, s1  }
0x8c: {  	s17 =	sshll.u32 s0, $0xA;
	s2 =	sadd.s32 s3, s2  }
0x8d: {  	s2 =	sadd.s32 s2, s17  }
0x8e: {  	[smem:$0x3FC5] =	sst s2  }
0x8f: {  	_ = 	snop  }
0x90: {  	s2 =	sld [smem:$0x3FD0];
	(tm) =	ssettm $0x1  }
0x91: {  	s18 =	sld [smem:$0x3FFB];
	_ =	sdelay $0x3  }
0x92: {  	_ =	strace s18  }
0x93: {  	s3 =	sld [smem:$0x3FFC];
	_ =	sdelay $0x3  }
0x94: {  	_ =	strace s3  }
0x95: {  	s3 =	sld [smem:$0x3FFD];
	_ =	sdelay $0x3  }
0x96: {  	_ =	strace s3  }
0x97: {  	_ =	strace $0x8FFFFFFF  }
0x98: {  	s19 =	sld [smem:$0x3FDB];
	_ =	sdelay $0x1  }
0x99: {  	s4 =	simm.s32 $_scs_section_size  }
0x9a: {  	s5 =	simm.s32 $_size__tile_overlayer_lowered;
	s6 =	simm.s32 $_tile_overlayer_lowered  }
0x9b: {  	s22 =	simm.s32 $0x1BFF;
	s21 =	sshll.u32 s6, $0x1;
	s3 =	sadd.s32 s4, s19  }
0x9c: {  	s7 =	simm.s32 $0x0;
	s20 =	sshll.u32 s5, $0x1;
	s5 =	sadd.s32 s21, s3  }
0x9d: {  	[timem:s7], [sflag:s22] =	dma.local [hbm:s5], s20  }
0x9e: {  	_ =	swait.ge [sflag:s22], s20  }
0x9f: {  	s4 =	ssub.s32 $0x0, s20;
	[sflag:s22] =	ssyncset.done $0x0  }
0xa0: {  	[sflag:s22] =	ssyncadd.s32 s4;
	_ =	sdelay $0x1  }
0xa1: {  	s23 =	simm.s32 $0x1B8B  }
0xa2: {  	_ =	swait.ge [sflag:s23], $0x1  }
0xa3: {  	[sflag:s23] =	ssyncset.done $0x0  }
0xa4: {  	s25 =	simm.s32 $0x1B8E;
	s24 =	sld [smem:$0x3FFE];
	[sflag:s23] =	ssyncadd.s32 $0xFFFFFFFF  }
0xa5: {  	s26 =	simm.s32 $execute0_lowered;
	[smem:$0x3FD2] =	sst s25  }
0xa6: {  	s5 =	sshll.u32 s26, $0x1;
	_ =	strace $0x80000046;
	[dreg:$0x1] =	wrdreg $0xFFFFFFFF  }
0xa7: {  	s28 =	simm.s32 $_size_execute0_lowered;
	s3 =	sadd.s32 s3, s5;
	[dreg:$0x0] =	wrdreg $0x0  }
0xa8: {  	s5 =	sshll.u32 s28, $0x1;
	[dreg:$0x2] =	wrdreg s3  }
0xa9: {  	[dreg:$0x3] =	wrdreg s5  }
0xaa: {  	[dreg:$0x4] =	wrdreg $0xC0  }
0xab: {  	_ =	task [dreg:s7], $0x5FFFF  }
0xac: {  	[dreg:$0x1] =	wrdreg $0xFFFFFFFF  }
0xad: {  	[dreg:$0x0] =	wrdreg $0x60  }
0xae: {  	[dreg:$0x2] =	wrdreg s24  }
0xaf: {  	[dreg:$0x3] =	wrdreg s2  }
0xb0: {  	[dreg:$0x4] =	wrdreg $0x1B8000  }
0xb1: {  	[dreg:$0x5] =	wrdreg $0x9  }
0xb2: {  	_ =	task.clear_ibuf [dreg:s7], $0x6FFFF;
	_ =	strace $0x90000046  }
0xb3: {  	s29 =	simm.s32 $0x9;
	_ =	strace $0x80000048  }
0xb4: {  	_ =	swait.ge [sflag:s29], $0x1  }
0xb5: {  	[sflag:s29] =	ssyncadd.s32 $0xFFFFFFFF  }
0xb6: {  	_ =	strace $0x90000048  }
0xb7: {  	_ =	sfence  }
0xb8: {  	s30 =	sld [smem:$0x0];
	_ =	sdelay $0x2  }
0xb9: {  	s31 =	sshll.u32 s1, $0xD;
	s1 =	sshrl.u32 s1, $0x2  }
0xba: {  	s3 =	sand.u32 $0x4000, s31;
	s1 =	sadd.s32 s1, s30  }
0xbb: {  	s0 =	sor.u32 s3, s0;
	s1 =	sshll.u32 s1, $0x11  }
0xbc: {  	s0 =	sor.u32 s1, s0  }
0xbd: {  	s0 =	sadd.s32 $0x8F2B, s0  }
0xbe: {  	[sflag:s0] =	ssyncadd.remote.s32 $0x1  }
0xbf: {  	_ =	sfence.sel $0xFFFF  }
0xc0: {  	[dreg:$0x0] =	wrdreg $0xFFFFFFFF;
	(pc) =	sbr.abs _section_cstart, $3  }
0xc1: {  	[dreg:$0x1] =	wrdreg $0xFFFFFFFF  }
0xc2: {  	_ =	task.clear_ibuf [dreg:s7], $0x2FFFF;
	_ =	strace $0x9FFFFFFF  }
0xc3: {  	(tm) =	ssettm $0x7FFFFFFF  }
tec
execute0_lowered:
.L_overlay_start_1:
0x0: {  	(tag) =	ssettag $0x1  }
0x1: {  	s0 =	rddreg [dreg:$0x0]  }
0x2: {  	s1 =	rddreg [dreg:$0x1]  }
0x3: {  	s2 =	srdreg.scid;
	s4 =	stileid.u32  }
0x4: {  	s6 =	rddreg [dreg:$0x2];
	s7 =	simm.s32 $0x0;
	s13 =	simm.s32 $0x1  }
0x5: {  	s14 =	simm.s32 $0x2;
	s15 =	simm.s32 $0xB800;
	s16 =	simm.s32 $0xF800  }
0x6: {  	s26 =	simm.s32 $0x7400;
	s17 =	simm.s32 $0x6;
	s18 =	simm.s32 $0x3  }
0x7: {  	s19 =	simm.s32 $0x13800;
	s20 =	simm.s32 $0x7;
	s28 =	simm.s32 $0x7480  }
0x8: {  	s30 =	simm.s32 $0x7500;
	s31 =	simm.s32 $0x7580;
	s29 =	simm.s32 $0xF  }
0x9: {  	s5 =	sand.u32 $0x1, s2;
	s21 =	sshll.u32 s4, $0x1;
	[smem:$0x7FF] =	sst s7  }
0xa: {  	s2 =	sadd.s32 $0x1800, s0;
	s10 =	smul.u32 $0x19000, s4;
	s11 =	sadd.s32 $0x800, s0  }
0xb: {  	p0 =	sne.s32 s4, $0x0;
	_ =	strace $0x80000047;
	[dreg:$0xa] =	wrdreg s11  }
0xc: {  	s3 =	sor.u32 s5, s21;
	s9 =	ssub.s32 $0x2, s5;
	[dreg:$0x6] =	wrdreg s26  }
0xd: {  	s12 =	smul.u32 $0xC800, s5;
	s5 =	sadd.s32 $0xF43C00, s0;
	[dreg:$0x7] =	wrdreg s28  }
0xe: {  	s11 =	simm.s32 $0x80;
	s21 =	simm.s32 $0x4;
	[dreg:$0x8] =	wrdreg s30  }
0xf: {  	[dreg:$0x9] =	wrdreg s31;
	s26 =	simm.s32 $0x9;
	s22 =	smul.u32 $0xC8, s3  }
0x10: {  	s8 =	smul.u32 $0xC80, s3;
	s3 =	sadd.s32 $0xA00, s0;
	s23 =	sshrl.u32 s9, $0x1  }
0x11: {  	s24 =	ssub.s32 s9, s23;
	s25 =	sadd.s32 s12, s10;
	s9 =	simm.s32 $0x10  }
0x12: {  	s12 =	simm.s32 $0x7800;
	s23 =	simm.s32 $0x8;
	[dreg:$0x4] =	wrdreg s22  }
0x13: {  	s1 =	sadd.s32 s1, s8;
	s0 =	smax.u32 s24, $0x1;
	[dreg:$0x5] =	wrdreg s25  }
0x14: {  	s22 =	simm.s32 $0x17800;
	s24 =	simm.s32 $0x5;
	[dreg:$0xb] =	wrdreg s1  }
0x15: {  	v0 =	vlaneseq.u32;
	s25 =	simm.s32 $0xB;
	[dreg:$0xc] =	wrdreg s0;
	s0 =	sshrl.u32 @!p0 s6, $0x3  }
0x16: {  	v0 =	vmul.u32 $0x2, v0;
	s1 =	simm.s32 $0x0;
	[dreg:$0xd] =	wrdreg s0;
	s0 =	simm.s32 $0xE  }
.LBB2_1:
0x17: {  	s4 =	simm.s32 @!p0 $0x1C10;
	s6 =	rddreg [dreg:$0xd]  }
0x18: {  	[spmem:s6], [sflag:s4] =	dma.local @!p0 [hbm:s3], $0xC80  }
0x19: {  	s4 =	simm.s32 @!p0 $0x10  }
0x1a: {  	_ =	swait.ge @!p0 [sflag:s4], $0xC80  }
0x1b: {  	[sflag:s4] =	ssyncset.done @!p0 $0x0  }
0x1c: {  	s28 =	simm.s32 $0x0;
	s30 =	rddreg [dreg:$0xb];
	[sflag:s4] =	ssyncadd.s32 @!p0 $0xFFFFF380  }
0x1d: {  	[tilespmem:s28], [sflag:$0x10] =	stream.linear.gather [hbm4b:s30+s28], $0x6400, $0x38;
	[tilespmem:$0x1BB20] =	vst v63  }
0x1e: {  	_ =	swait.ge [sflag:s9], $0x6400  }
0x1f: {  	[sflag:s9] =	ssyncset.done $0x0  }
0x20: {  	s7 =	simm.s32 $0x6400;
	s31 =	rddreg [dreg:$0xa];
	[sflag:s9] =	ssyncadd.s32 $0xFFFF9C00  }
0x21: {  	[tilespmem:s7], [sflag:$0x10] =	stream.linear.gather [hbm4b:s31+s28], $0xC80, $0x38;
	[tilespmem:$0x1BB20] =	vst v63  }
0x22: {  	_ =	swait.ge [sflag:s9], $0xC80  }
0x23: {  	[sflag:s9] =	ssyncset.done $0x0  }
0x24: {  	s10 =	simm.s32 $0x0;
	[sflag:s9] =	ssyncadd.s32 $0xFFFFF380  }
0x25: {  	s6 =	simm.s32 $0x0;
	s4 =	simm.s32 $0x0;
	[bflag:$0x0] =	sbarrier.arrive $0xFFFF  }
0x26: {  	[tilespmem:s12], [sflag:$0x1] =	stream.indirect.gather [hbm4b:s3+s11], $0x40, s7, s11, $0xb8;
	[tilespmem:$0x1BB20] =	vst v63  }
.LBB2_2:
0x27: {  	_ =	swait.ge [sflag:s13], $0x2000  }
0x28: {  	[sflag:s13] =	ssyncset.done $0x0;
	s7 =	rddreg [dreg:$0x5]  }
0x29: {  	[sflag:s13] =	ssyncadd.s32 $0xFFFFE000;
	s7 =	sadd.s32 s10, s7  }
0x2a: {  	[tilespmem:s12], [sflag:$0x6] =	stream.indirect.gather.add.f32 [hbm:s2], $0x40, s6, s11, $0xb8;
	[tilespmem:$0x1BB20] =	vst v63  }
0x2b: {  	v1 =	vor.u32 s7, v0;
	s8 =	sadd.s32 $0x20, s7  }
0x2c: {  	p1 =	sne.s32 s10, $0x0;
	s28 =	sadd.s32 $0x40, s7;
	[tilespmem:$0x7400] =	vst v1;
	v1 =	vor.u32 s8, v0  }
0x2d: {  	s30 =	sadd.s32 $0x60, s7;
	[tilespmem:$0x7410] =	vst v1;
	v1 =	vor.u32 s28, v0;
	s28 =	sadd.s32 @p1 $0x1, s4  }
0x2e: {  	[tilespmem:$0x7420] =	vst v1;
	v1 =	vor.u32 s30, v0;
	s30 =	sand.u32 @p1 $0xFF, s28  }
0x2f: {  	s31 =	sadd.s32 $0x80, s7;
	s30 =	smul.u32 @p1 $0x29, s30  }
0x30: {  	[tilespmem:$0x7430] =	vst v1;
	v1 =	vor.u32 s31, v0;
	s31 =	sadd.s32 $0xA0, s7  }
0x31: {  	[tilespmem:$0x7440] =	vst v1;
	v1 =	vor.u32 s31, v0;
	s31 =	sadd.s32 $0xC0, s7;
	s30 =	sshrl.u32 @p1 s30, $0xA  }
0x32: {  	[tilespmem:$0x7450] =	vst v1;
	v1 =	vor.u32 s31, v0;
	s31 =	sadd.s32 $0xE0, s7;
	s8 =	smul.u32 @p1 $0x19, s30  }
0x33: {  	[tilespmem:$0x7460] =	vst v1;
	v1 =	vor.u32 s31, v0  }
0x34: {  	s30 =	simm.s32 @p1 $0xC;
	[tilespmem:$0x7470] =	vst v1;
	s8 =	ssub.s32 @p1 s28, s8  }
0x35: {  	_ =	swait.ge @p1 [sflag:s30], $0x2000;
	s8 =	sand.u32 @p1 $0xFF, s8  }
0x36: {  	s31 =	simm.s32 @p1 $0xB800;
	[sflag:s30] =	ssyncset.done @p1 $0x0;
	s8 =	sshll.u32 @p1 s8, $0x7  }
0x37: {  	[sflag:s30] =	ssyncadd.s32 @p1 $0xFFFFE000;
	s30 =	simm.s32 @p1 $0x80;
	s8 =	sadd.s32 @p1 $0x6400, s8  }
0x38: {  	[tilespmem:s31], [sflag:$0x2] =	stream.indirect.gather @p1 [hbm4b:s3+s30], $0x40, s8, s30, $0xb8;
	[tilespmem:$0x1BB20] =	vst v63  }
0x39: {  	s8 =	simm.s32 @p1 $0xA  }
0x3a: {  	_ =	swait.ge @p1 [sflag:s8], $0x2000  }
0x3b: {  	[sflag:s8] =	ssyncset.done @p1 $0x0  }
0x3c: {  	s31 =	simm.s32 @p1 $0x17800;
	[sflag:s8] =	ssyncadd.s32 @p1 $0xFFFFE000;
	s8 =	simm.s32 @p1 $0x7600  }
0x3d: {  	[hbm4b:s5+s30] =	stream.indirect.scatter @p1 [tilespmem:s31], [sflag:$0xF], $0x40, s8, s30, $0xb8;
	[tilespmem:$0x1BB20] =	vst v63  }
0x3e: {  	s8 =	simm.s32 @!p1 $0x80;
	s30 =	simm.s32 @!p1 $0x6480;
	s31 =	simm.s32 @!p1 $0xB800  }
0x3f: {  	[tilespmem:s31], [sflag:$0x2] =	stream.indirect.gather @!p1 [hbm4b:s3+s8], $0x40, s30, s8, $0xb8;
	[tilespmem:$0x1BB20] =	vst v63  }
0x40: {  	s28 =	simm.s32 @!p1 $0x1;
	_ =	swait.ge [sflag:s14], $0x2000  }
0x41: {  	s8 =	sshll.u32 s28, $0x7;
	[sflag:s14] =	ssyncset.done $0x0;
	s31 =	rddreg [dreg:$0x4]  }
0x42: {  	s8 =	sand.u32 $0x3FFFFF80, s8;
	[sflag:s14] =	ssyncadd.s32 $0xFFFFE000;
	s28 =	sadd.s32 s31, s28  }
0x43: {  	[tilespmem:s15], [sflag:$0x7] =	stream.indirect.gather.add.f32 [hbm:s2], $0x40, s8, s11, $0xb8;
	[tilespmem:$0x1BB20] =	vst v63  }
0x44: {  	s8 =	sshll.u32 s28, $0x8  }
0x45: {  	v1 =	vor.u32 s8, v0;
	s30 =	sor.u32 $0x20, s8  }
0x46: {  	s31 =	sor.u32 $0x40, s8;
	[tilespmem:$0x7480] =	vst v1;
	v1 =	vor.u32 s30, v0;
	s30 =	sadd.s32 $0x2, s4  }
0x47: {  	s28 =	sor.u32 $0x60, s8;
	[tilespmem:$0x7490] =	vst v1;
	v1 =	vor.u32 s31, v0;
	s31 =	sand.u32 $0xFF, s30  }
0x48: {  	[tilespmem:$0x74A0] =	vst v1;
	v1 =	vor.u32 s28, v0;
	s28 =	sor.u32 $0x80, s8;
	s31 =	smul.u32 $0x29, s31  }
0x49: {  	[tilespmem:$0x74B0] =	vst v1;
	v1 =	vor.u32 s28, v0;
	s28 =	sor.u32 $0xA0, s8  }
0x4a: {  	[tilespmem:$0x74C0] =	vst v1;
	v1 =	vor.u32 s28, v0;
	s28 =	sor.u32 $0xC0, s8;
	s31 =	sshrl.u32 s31, $0xA  }
0x4b: {  	s8 =	sor.u32 $0xE0, s8;
	v2 =	vor.u32 s28, v0;
	[tilespmem:$0x74D0] =	vst v1;
	s31 =	smul.u32 $0x19, s31  }
0x4c: {  	p1 =	seq.s32 s10, $0x0;
	v1 =	vor.u32 s8, v0;
	[tilespmem:$0x74E0] =	vst v2  }
0x4d: {  	s8 =	simm.s32 @!p1 $0xD;
	[tilespmem:$0x74F0] =	vst v1;
	s28 =	ssub.s32 s30, s31  }
0x4e: {  	_ =	swait.ge @!p1 [sflag:s8], $0x2000;
	s28 =	sand.u32 $0xFF, s28  }
0x4f: {  	[sflag:s8] =	ssyncset.done @!p1 $0x0;
	s28 =	sshll.u32 s28, $0x7  }
0x50: {  	[sflag:s8] =	ssyncadd.s32 @!p1 $0xFFFFE000;
	s31 =	sadd.s32 $0x6400, s28  }
0x51: {  	[tilespmem:s16], [sflag:$0x3] =	stream.indirect.gather [hbm4b:s3+s11], $0x40, s31, s11, $0xb8;
	[tilespmem:$0x1BB20] =	vst v63  }
0x52: {  	_ =	swait.ge [sflag:s17], $0x2000  }
0x53: {  	[sflag:s17] =	ssyncset.done $0x0  }
0x54: {  	s28 =	rddreg [dreg:$0x6];
	[sflag:s17] =	ssyncadd.s32 $0xFFFFE000  }
0x55: {  	[hbm4b:s5+s11] =	stream.indirect.scatter [tilespmem:s12], [sflag:$0xB], $0x40, s28, s11, $0xb8;
	[tilespmem:$0x1BB20] =	vst v63  }
0x56: {  	_ =	swait.ge [sflag:s18], $0x2000  }
0x57: {  	s30 =	sadd.s32 $0x100, s6;
	[sflag:s18] =	ssyncset.done $0x0  }
0x58: {  	s31 =	sadd.s32 $0x200, s7;
	s28 =	sadd.s32 $0x220, s7;
	[sflag:s18] =	ssyncadd.s32 $0xFFFFE000  }
0x59: {  	v1 =	vor.u32 s31, v0;
	[tilespmem:s16], [sflag:$0x8] =	stream.indirect.gather.add.f32 [hbm:s2], $0x40, s30, s11, $0xb8;
	[tilespmem:$0x1BB20] =	vst v63  }
0x5a: {  	s30 =	sadd.s32 $0x240, s7;
	[tilespmem:$0x7500] =	vst v1;
	v1 =	vor.u32 s28, v0;
	s28 =	sadd.s32 $0x3, s4  }
0x5b: {  	s31 =	sadd.s32 $0x260, s7;
	[tilespmem:$0x7510] =	vst v1;
	v1 =	vor.u32 s30, v0;
	s30 =	sand.u32 $0xFF, s28  }
0x5c: {  	[tilespmem:$0x7520] =	vst v1;
	v1 =	vor.u32 s31, v0;
	s31 =	sadd.s32 $0x280, s7;
	s30 =	smul.u32 $0x29, s30  }
0x5d: {  	[tilespmem:$0x7530] =	vst v1;
	v1 =	vor.u32 s31, v0;
	s31 =	sadd.s32 $0x2A0, s7  }
0x5e: {  	[tilespmem:$0x7540] =	vst v1;
	v1 =	vor.u32 s31, v0;
	s31 =	sadd.s32 $0x2C0, s7;
	s30 =	sshrl.u32 s30, $0xA  }
0x5f: {  	[tilespmem:$0x7550] =	vst v1;
	v1 =	vor.u32 s31, v0;
	s31 =	sadd.s32 $0x2E0, s7;
	s30 =	smul.u32 $0x19, s30  }
0x60: {  	[tilespmem:$0x7560] =	vst v1;
	v1 =	vor.u32 s31, v0  }
0x61: {  	s8 =	simm.s32 @!p1 $0xE;
	[tilespmem:$0x7570] =	vst v1;
	s28 =	ssub.s32 s28, s30  }
0x62: {  	_ =	swait.ge @!p1 [sflag:s8], $0x2000;
	s28 =	sand.u32 $0xFF, s28  }
0x63: {  	[sflag:s8] =	ssyncset.done @!p1 $0x0;
	s28 =	sshll.u32 s28, $0x7  }
0x64: {  	[sflag:s8] =	ssyncadd.s32 @!p1 $0xFFFFE000;
	s31 =	sadd.s32 $0x6400, s28  }
0x65: {  	[tilespmem:s19], [sflag:$0x4] =	stream.indirect.gather [hbm4b:s3+s11], $0x40, s31, s11, $0xb8;
	[tilespmem:$0x1BB20] =	vst v63  }
0x66: {  	_ =	swait.ge [sflag:s20], $0x2000  }
0x67: {  	[sflag:s20] =	ssyncset.done $0x0  }
0x68: {  	s28 =	rddreg [dreg:$0x7];
	[sflag:s20] =	ssyncadd.s32 $0xFFFFE000  }
0x69: {  	[hbm4b:s5+s11] =	stream.indirect.scatter [tilespmem:s15], [sflag:$0xC], $0x40, s28, s11, $0xb8;
	[tilespmem:$0x1BB20] =	vst v63  }
0x6a: {  	_ =	swait.ge [sflag:s21], $0x2000  }
0x6b: {  	s30 =	sadd.s32 $0x180, s6;
	[sflag:s21] =	ssyncset.done $0x0  }
0x6c: {  	s31 =	sadd.s32 $0x300, s7;
	s28 =	sadd.s32 $0x320, s7;
	[sflag:s21] =	ssyncadd.s32 $0xFFFFE000  }
0x6d: {  	v1 =	vor.u32 s31, v0;
	[tilespmem:s19], [sflag:$0x9] =	stream.indirect.gather.add.f32 [hbm:s2], $0x40, s30, s11, $0xb8;
	[tilespmem:$0x1BB20] =	vst v63  }
0x6e: {  	s30 =	sadd.s32 $0x340, s7;
	[tilespmem:$0x7580] =	vst v1;
	v1 =	vor.u32 s28, v0;
	s28 =	sadd.s32 $0x4, s4  }
0x6f: {  	s31 =	sadd.s32 $0x360, s7;
	[tilespmem:$0x7590] =	vst v1;
	v1 =	vor.u32 s30, v0;
	s30 =	sand.u32 $0xFF, s28  }
0x70: {  	[tilespmem:$0x75A0] =	vst v1;
	v1 =	vor.u32 s31, v0;
	s31 =	sadd.s32 $0x380, s7;
	s30 =	smul.u32 $0x29, s30  }
0x71: {  	[tilespmem:$0x75B0] =	vst v1;
	v1 =	vor.u32 s31, v0;
	s31 =	sadd.s32 $0x3A0, s7  }
0x72: {  	[tilespmem:$0x75C0] =	vst v1;
	v1 =	vor.u32 s31, v0;
	s31 =	sadd.s32 $0x3C0, s7;
	s30 =	sshrl.u32 s30, $0xA  }
0x73: {  	[tilespmem:$0x75D0] =	vst v1;
	v1 =	vor.u32 s31, v0;
	s31 =	sadd.s32 $0x3E0, s7;
	s30 =	smul.u32 $0x19, s30  }
0x74: {  	[tilespmem:$0x75E0] =	vst v1;
	v1 =	vor.u32 s31, v0  }
0x75: {  	s8 =	simm.s32 @!p1 $0xF;
	[tilespmem:$0x75F0] =	vst v1;
	s28 =	ssub.s32 s28, s30  }
0x76: {  	_ =	swait.ge @!p1 [sflag:s8], $0x2000;
	s28 =	sand.u32 $0xFF, s28  }
0x77: {  	[sflag:s8] =	ssyncset.done @!p1 $0x0;
	s28 =	sshll.u32 s28, $0x7  }
0x78: {  	[sflag:s8] =	ssyncadd.s32 @!p1 $0xFFFFE000;
	s30 =	sadd.s32 $0x6400, s28  }
0x79: {  	[tilespmem:s22], [sflag:$0x5] =	stream.indirect.gather [hbm4b:s3+s11], $0x40, s30, s11, $0xb8;
	[tilespmem:$0x1BB20] =	vst v63  }
0x7a: {  	_ =	swait.ge [sflag:s23], $0x2000  }
0x7b: {  	[sflag:s23] =	ssyncset.done $0x0  }
0x7c: {  	s31 =	rddreg [dreg:$0x8];
	[sflag:s23] =	ssyncadd.s32 $0xFFFFE000  }
0x7d: {  	[hbm4b:s5+s11] =	stream.indirect.scatter [tilespmem:s16], [sflag:$0xD], $0x40, s31, s11, $0xb8;
	[tilespmem:$0x1BB20] =	vst v63  }
0x7e: {  	_ =	swait.ge [sflag:s24], $0x2000  }
0x7f: {  	s28 =	sadd.s32 $0x200, s6;
	[sflag:s24] =	ssyncset.done $0x0  }
0x80: {  	s30 =	sadd.s32 $0x400, s7;
	s31 =	sadd.s32 $0x420, s7;
	[sflag:s24] =	ssyncadd.s32 $0xFFFFE000  }
0x81: {  	v1 =	vor.u32 s30, v0;
	[tilespmem:s22], [sflag:$0xA] =	stream.indirect.gather.add.f32 [hbm:s2], $0x40, s28, s11, $0xb8;
	[tilespmem:$0x1BB20] =	vst v63  }
0x82: {  	p1 =	seq.s32 s10, $0xC300;
	s28 =	sadd.s32 $0x440, s7;
	[tilespmem:$0x7600] =	vst v1;
	v1 =	vor.u32 s31, v0  }
0x83: {  	s30 =	sadd.s32 $0x460, s7;
	[tilespmem:$0x7610] =	vst v1;
	v1 =	vor.u32 s28, v0;
	s28 =	sadd.s32 @!p1 $0x5, s4  }
0x84: {  	[tilespmem:$0x7620] =	vst v1;
	v1 =	vor.u32 s30, v0;
	s30 =	sand.u32 @!p1 $0xFF, s28  }
0x85: {  	s31 =	sadd.s32 $0x480, s7;
	s30 =	smul.u32 @!p1 $0x29, s30  }
0x86: {  	[tilespmem:$0x7630] =	vst v1;
	v1 =	vor.u32 s31, v0;
	s31 =	sadd.s32 $0x4A0, s7  }
0x87: {  	[tilespmem:$0x7640] =	vst v1;
	v1 =	vor.u32 s31, v0;
	s31 =	sadd.s32 $0x4C0, s7;
	s7 =	sadd.s32 $0x4E0, s7;
	s8 =	sshrl.u32 @!p1 s30, $0xA  }
0x88: {  	v2 =	vor.u32 s31, v0;
	[tilespmem:$0x7650] =	vst v1;
	v1 =	vor.u32 s7, v0;
	s7 =	smul.u32 @!p1 $0x19, s8  }
0x89: {  	[tilespmem:$0x7660] =	vst v2  }
0x8a: {  	[tilespmem:$0x7670] =	vst v1;
	s7 =	ssub.s32 @!p1 s28, s7  }
0x8b: {  	s10 =	sadd.s32 $0x500, s10;
	_ =	swait.ge [sflag:s25], $0x2000;
	s7 =	sand.u32 @!p1 $0xFF, s7  }
0x8c: {  	s8 =	simm.s32 @!p1 $0x80;
	[sflag:s25] =	ssyncset.done $0x0;
	s7 =	sshll.u32 @!p1 s7, $0x7  }
0x8d: {  	s28 =	simm.s32 @!p1 $0x7800;
	[sflag:s25] =	ssyncadd.s32 $0xFFFFE000;
	s7 =	sadd.s32 @!p1 $0x6400, s7  }
0x8e: {  	[tilespmem:s28], [sflag:$0x1] =	stream.indirect.gather @!p1 [hbm4b:s3+s8], $0x40, s7, s8, $0xb8;
	[tilespmem:$0x1BB20] =	vst v63  }
0x8f: {  	p1 =	sne.s32 s10, $0xC800  }
.Ltmp0:
0x90: {  	_ = 	snop;
	(pc) =	sbr.rel @p1 .LBB2_2-.Ltmp0, $4  }
0x91: {  	_ =	swait.ge [sflag:s26], $0x2000  }
0x92: {  	s6 =	sadd.s32 $0x280, s6;
	[sflag:s26] =	ssyncset.done $0x0  }
0x93: {  	s4 =	sadd.s32 $0x5, s4;
	s31 =	rddreg [dreg:$0x9];
	[sflag:s26] =	ssyncadd.s32 $0xFFFFE000  }
0x94: {  	[hbm4b:s5+s11] =	stream.indirect.scatter [tilespmem:s19], [sflag:$0xE], $0x40, s31, s11, $0xb8;
	[tilespmem:$0x1BB20] =	vst v63  }
0x95: {  	s4 =	simm.s32 $0xA  }
0x96: {  	_ =	swait.ge [sflag:s4], $0x2000  }
0x97: {  	[sflag:s4] =	ssyncset.done $0x0  }
0x98: {  	s10 =	simm.s32 $0x7600;
	s28 =	simm.s32 $0xC;
	[sflag:s4] =	ssyncadd.s32 $0xFFFFE000  }
0x99: {  	[hbm4b:s5+s11] =	stream.indirect.scatter [tilespmem:s22], [sflag:$0xF], $0x40, s10, s11, $0xb8;
	[tilespmem:$0x1BB20] =	vst v63  }
0x9a: {  	_ =	swait.ge [sflag:s28], $0x2000  }
0x9b: {  	[sflag:s28] =	ssyncset.done $0x0  }
0x9c: {  	s30 =	simm.s32 $0xD;
	[sflag:s28] =	ssyncadd.s32 $0xFFFFE000  }
0x9d: {  	_ =	swait.ge [sflag:s30], $0x2000  }
0x9e: {  	[sflag:s30] =	ssyncset.done $0x0  }
0x9f: {  	[sflag:s30] =	ssyncadd.s32 $0xFFFFE000  }
0xa0: {  	_ =	swait.ge [sflag:s0], $0x2000  }
0xa1: {  	[sflag:s0] =	ssyncset.done $0x0  }
0xa2: {  	[sflag:s0] =	ssyncadd.s32 $0xFFFFE000  }
0xa3: {  	_ =	swait.ge [sflag:s29], $0x2000  }
0xa4: {  	s1 =	sadd.s32 $0x1, s1;
	s31 =	rddreg [dreg:$0xc]  }
0xa5: {  	p1 =	sne.s32 s1, s31  }
.Ltmp1:
0xa6: {  	_ = 	snop;
	(pc) =	sbr.rel @p1 .LBB2_1-.Ltmp1, $3  }
0xa7: {  	_ =	sdelay $0x1  }
0xa8: {  	[sflag:s29] =	ssyncset.done $0x0  }
0xa9: {  	[sflag:s29] =	ssyncadd.s32 $0xFFFFE000  }
0xaa: {  	_ =	sfence.sel $0x180000  }
0xab: {  	[bflag:$0x0] =	sbarrier.arrive $0xFFFF  }
0xac: {  	_ =	strace $0x90000047  }
0xad: {  	[bflag:$0x2] =	sbarrier.arrive $0xFFFF  }
0xae: {  	s0 =	rddreg [dreg:$0x3]  }
0xaf: {  	s0 =	sadd.s32 @!p0 $0x100000, s0  }
0xb0: {  	[sflag:s0] =	ssyncadd.tile.s32 @!p0 $0x1;
	_ =	shalt  }
.Lfunc_end2:
_tile_overlayer_lowered:
.L_overlay_start_2:
0xb1: {  	(tag) =	ssettag $0x2  }
0xb2: {  	s0 =	rddreg [dreg:$0x0];
	s2 =	stileid.u32  }
0xb3: {  	s1 =	rddreg [dreg:$0x1];
	p0 =	sne.s32 s2, $0x0  }
0xb4: {  	s3 =	rddreg [dreg:$0x2];
	[bflag:$0x3] =	sbarrier.arrive $0xFFFF;
	s2 =	simm.s32 @!p0 $0x1C10  }
0xb5: {  	[timem:s3], [sflag:s2] =	dma.local @!p0 [hbm:s0], s1  }
0xb6: {  	s0 =	simm.s32 @!p0 $0x10  }
0xb7: {  	_ =	swait.ge @!p0 [sflag:s0], s1  }
0xb8: {  	s1 =	ssub.s32 @!p0 $0x0, s1;
	[sflag:s0] =	ssyncset.done @!p0 $0x0  }
0xb9: {  	[sflag:s0] =	ssyncadd.s32 @!p0 s1  }
0xba: {  	[bflag:$0x3] =	sbarrier.arrive $0xFFFF  }
0xbb: {  	_ =	shalt  }

// kernel: sparse-core-data-format-call.cloned.1.call-start
scs
called_computation_lowered:
.L_overlay_start_0:
0x0: {  	s2 =	sld [smem:$0x3FD9]  }
0x1: {  	s3 =	sld [smem:$0x3FFE];
	_ =	sdelay $0x1  }
0x2: {  	s1 =	srdreg.scid  }
0x3: {  	s0 =	sand.u32 $0x1, s1  }
0x4: {  	s18 =	sshll.u32 s0, $0xA;
	s2 =	sadd.s32 s3, s2  }
0x5: {  	s2 =	sadd.s32 s2, s18  }
0x6: {  	[smem:$0x3FC5] =	sst s2  }
0x7: {  	_ = 	snop  }
0x8: {  	s2 =	sld [smem:$0x3FD0];
	(tm) =	ssettm $0x1  }
0x9: {  	s19 =	sld [smem:$0x3FFB];
	_ =	sdelay $0x3  }
0xa: {  	_ =	strace s19  }
0xb: {  	s3 =	sld [smem:$0x3FFC];
	_ =	sdelay $0x3  }
0xc: {  	_ =	strace s3  }
0xd: {  	s3 =	sld [smem:$0x3FFD];
	_ =	sdelay $0x3  }
0xe: {  	_ =	strace s3  }
0xf: {  	_ =	strace $0x8FFFFFFF  }
0x10: {  	s20 =	sld [smem:$0x3FDB];
	_ =	sdelay $0x1  }
0x11: {  	s4 =	simm.s32 $_scs_section_size  }
0x12: {  	s5 =	simm.s32 $_size__tile_overlayer_lowered;
	s6 =	simm.s32 $_tile_overlayer_lowered  }
0x13: {  	s23 =	simm.s32 $0x1BFF;
	s22 =	sshll.u32 s6, $0x1;
	s3 =	sadd.s32 s4, s20  }
0x14: {  	s7 =	simm.s32 $0x0;
	s21 =	sshll.u32 s5, $0x1;
	s5 =	sadd.s32 s22, s3  }
0x15: {  	[timem:s7], [sflag:s23] =	dma.local [hbm:s5], s21  }
0x16: {  	_ =	swait.ge [sflag:s23], s21  }
0x17: {  	s4 =	ssub.s32 $0x0, s21;
	[sflag:s23] =	ssyncset.done $0x0  }
0x18: {  	[sflag:s23] =	ssyncadd.s32 s4;
	_ =	sdelay $0x1  }
0x19: {  	s24 =	simm.s32 $0x1B8B  }
0x1a: {  	_ =	swait.ge [sflag:s24], $0x1  }
0x1b: {  	[sflag:s24] =	ssyncset.done $0x0  }
0x1c: {  	s26 =	simm.s32 $0x1B8E;
	s25 =	sld [smem:$0x3FFE];
	[sflag:s24] =	ssyncadd.s32 $0xFFFFFFFF  }
0x1d: {  	s27 =	simm.s32 $execute0_lowered;
	[smem:$0x3FD2] =	sst s26  }
0x1e: {  	s5 =	sshll.u32 s27, $0x1;
	_ =	strace $0x80000049;
	[dreg:$0x1] =	wrdreg $0xFFFFFFFF  }
0x1f: {  	s28 =	simm.s32 $_size_execute0_lowered;
	s3 =	sadd.s32 s3, s5;
	[dreg:$0x0] =	wrdreg $0x0  }
0x20: {  	s5 =	sshll.u32 s28, $0x1;
	[dreg:$0x2] =	wrdreg s3  }
0x21: {  	[dreg:$0x3] =	wrdreg s5  }
0x22: {  	[dreg:$0x4] =	wrdreg $0xC0  }
0x23: {  	_ =	task [dreg:s7], $0x5FFFF  }
0x24: {  	[dreg:$0x1] =	wrdreg $0xFFFFFFFF  }
0x25: {  	[dreg:$0x0] =	wrdreg $0x60  }
0x26: {  	[dreg:$0x2] =	wrdreg s25  }
0x27: {  	[dreg:$0x3] =	wrdreg s2  }
0x28: {  	[dreg:$0x4] =	wrdreg $0x9  }
0x29: {  	_ =	task.clear_ibuf [dreg:s7], $0x5FFFF;
	_ =	strace $0x90000049  }
0x2a: {  	s29 =	simm.s32 $0x9;
	_ =	strace $0x8000004B  }
0x2b: {  	_ =	swait.ge [sflag:s29], $0x1  }
0x2c: {  	[sflag:s29] =	ssyncadd.s32 $0xFFFFFFFF  }
0x2d: {  	_ =	strace $0x9000004B  }
0x2e: {  	_ =	sfence  }
0x2f: {  	s30 =	sld [smem:$0x0];
	_ =	sdelay $0x2  }
0x30: {  	s31 =	sshll.u32 s1, $0xD;
	s1 =	sshrl.u32 s1, $0x2  }
0x31: {  	s3 =	sand.u32 $0x4000, s31;
	s1 =	sadd.s32 s1, s30  }
0x32: {  	s0 =	sor.u32 s3, s0;
	s1 =	sshll.u32 s1, $0x11  }
0x33: {  	s0 =	sor.u32 s1, s0  }
0x34: {  	s0 =	sadd.s32 $0x8F2B, s0  }
0x35: {  	[sflag:s0] =	ssyncadd.remote.s32 $0x1  }
0x36: {  	_ =	sfence.sel $0xFFFF  }
0x37: {  	[dreg:$0x0] =	wrdreg $0xFFFFFFFF;
	(pc) =	sbr.abs _section_cstart, $3  }
0x38: {  	[dreg:$0x1] =	wrdreg $0xFFFFFFFF  }
0x39: {  	_ =	task.clear_ibuf [dreg:s7], $0x2FFFF;
	_ =	strace $0x9FFFFFFF  }
0x3a: {  	(tm) =	ssettm $0x7FFFFFFF  }
0x3b: {  	_ =	shalt  }
tec
execute0_lowered:
.L_overlay_start_1:
0x0: {  	(tag) =	ssettag $0x1  }
0x1: {  	s0 =	srdreg.scid  }
0x2: {  	s1 =	sshll.u32 s0, $0x4  }
0x3: {  	s0 =	stileid.u32;
	s1 =	sand.u32 $0x10, s1  }
0x4: {  	s1 =	sor.u32 s0, s1  }
0x5: {  	s6 =	rddreg [dreg:$0x0];
	s4 =	simm.s32 $0x1;
	s2 =	sshll.u32 s1, $0x7  }
0x6: {  	s7 =	simm.s32 $0x2;
	s12 =	simm.s32 $0x0;
	s1 =	ssub.s32 $0x1000, s2  }
0x7: {  	s8 =	simm.s32 $0x8000;
	s13 =	simm.s32 $0x0;
	s3 =	sand.u32 $0xF80, s1  }
0x8: {  	s9 =	simm.s32 $0x0;
	s5 =	sshrl.u32 s1, $0xC;
	p0 =	sne.s32 s3, $0x0  }
.Ltmp0:
0x9: {  	s1 =	rddreg [dreg:$0x2];
	s4 =	simm.s32 @!p0 $0x0;
	(pc) =	sbr.rel .LBB1_1-.Ltmp0, $4  }
0xa: {  	s11 =	simm.s32 $0x0;
	s3 =	rddreg [dreg:$0x1];
	s5 =	sadd.s32 s4, s5  }
0xb: {  	_ =	strace $0x8000004A;
	s4 =	simm.s32 $0x1;
	s5 =	smul.u32 $0xC8, s5  }
0xc: {  	s6 =	sadd.s32 $0xF43C00, s6;
	s10 =	smov.u32 s2;
	[sflag:s4] =	ssyncpa.u1 $0x0  }
0xd: {  	p0 =	por $0x0, $0x0;
	[sflag:s7] =	ssyncpa.u1 $0x0;
	s7 =	sor.u32 $0x1, s5  }
.LBB1_4:
0xe: {  	s16 =	sshll.u32 s13, $0x3;
	s17 =	sand.u32 $0x78, s13  }
0xf: {  	s30 =	sand.u32 $0x7E00, s13;
	s12 =	sshll.u32 s12, $0xF;
	s16 =	sand.u32 $0xC00, s16  }
0x10: {  	[tilespmem:s15+$0x810 ss:$0x81] =	vst.msk $0xffff, v2;
	s31 =	sand.u32 $0x7, s13;
	s16 =	sor.u32 s17, s16;
	s17 =	sadd.s32 s3, s30  }
0x11: {  	[tilespmem:s15+$0x1020 ss:$0x81] =	vst.msk $0xffff, v0;
	s13 =	sshll.u32 s31, $0x12;
	s12 =	sadd.s32 s12, s17;
	s16 =	sshrl.u32 s16, $0x3  }
0x12: {  	[tilespmem:s15+$0x0 ss:$0x81] =	vst.msk $0xffff, v1;
	s13 =	sor.u32 $0x400, s13;
	s12 =	sadd.s32 s16, s12  }
0x13: {  	[hbm4b:s12+s13] =	stream.strided.scatter [tilespmem:s14], [sflag:$0x2], $0x2000, s8, s13, $0x20;
	[tilespmem:$0x8080] =	vst v63  }
.LBB1_5:
0x14: {  	s14 =	sadd.s32 $0x1, s9  }
0x15: {  	s12 =	sadd.s32 $0x1000, s10;
	s16 =	smov.u32 s10;
	p2 =	sgt.s32 s14, $0xC7  }
0x16: {  	s16 =	smov.u32 @p2 s12  }
0x17: {  	s14 =	simm.s32 @p2 $0x0;
	p2 =	sgt.s32 s16, $0xFFF  }
0x18: {  	s16 =	smov.u32 @p2 s2;
	p2 =	sne.s32 s11, s7  }
.Ltmp1:
0x19: {  	p1 =	slt.u32 s11, $0x2;
	(pc) =	sbr.rel @!p2 .LBB1_6-.Ltmp1, $4  }
0x1a: {  	s15 =	simm.s32 @!p1 $0x2  }
0x1b: {  	s13 =	smov.u32 s10;
	p0 =	por !p0, !p0;
	_ =	swait.ge @!p1 [sflag:s15], $0x2000  }
0x1c: {  	s12 =	smov.u32 s9;
	[sflag:s15] =	ssyncset.done @!p1 $0x0;
	s9 =	smov.u32 s14  }
0x1d: {  	s11 =	sadd.s32 $0x1, s11;
	[sflag:s15] =	ssyncadd.s32 @!p1 $0xFFFFE000;
	s10 =	smov.u32 s16  }
.LBB1_1:
0x1e: {  	p1 =	sge.u32 s11, s5  }
0x1f: {  	s14 =	sand.u32 @!p1 $0x1FFFFFF, s9  }
0x20: {  	s15 =	smulhi.u32 @!p1 $0x147AE15, s14;
	_ =	sdelay $0x1  }
0x21: {  	s15 =	smul.u32 @!p1 $0xC8, s15  }
0x22: {  	s16 =	sxor.u32 @!p1 $0xFFFFFFFF, s11;
	s17 =	smul.u32 @!p1 $0xC80, s10  }
0x23: {  	s31 =	sadd.s32 $0xFFFFFFFF, s11;
	s16 =	sshll.u32 @!p1 s16, $0xD;
	s14 =	ssub.s32 @!p1 s14, s15  }
0x24: {  	s15 =	sand.u32 @!p1 $0x2000, s16;
	s16 =	sadd.s32 @!p1 s6, s17;
	s14 =	sshll.u32 @!p1 s14, $0x4  }
0x25: {  	s17 =	simm.s32 @!p1 $0x6400;
	s14 =	sadd.s32 @!p1 s14, s16;
	s16 =	simm.s32 @!p1 $0x40  }
0x26: {  	[tilespmem:s15], [sflag:$0x1] =	stream.strided.gather @!p1 [hbm4b:s14+s16], $0x2000, s17, s16, $0x38;
	[tilespmem:$0x8080] =	vst v63  }
0x27: {  	p1 =	sge.u32 s31, s5  }
.Ltmp2:
0x28: {  	_ = 	snop;
	(pc) =	sbr.rel @p1 .LBB1_5-.Ltmp2, $1  }
0x29: {  	_ =	sdelay $0x3  }
0x2a: {  	s14 =	simm.s32 $0x1  }
0x2b: {  	_ =	swait.ge [sflag:s4], $0x2000;
	s14 =	simm.s32 @!p0 $0x0  }
0x2c: {  	[sflag:s4] =	ssyncset.done $0x0;
	s15 =	sshll.u32 s14, $0xD  }
0x2d: {  	[sflag:s4] =	ssyncadd.s32 $0xFFFFE000;
	s18 =	sor.u32 $0x20, s15  }
0x2e: {  	s14 =	smul.u32 $0x8100, s14;
	v3 =	vld [tilespmem:s18+$0x10]  }
0x2f: {  	s30 =	sand.u32 $0x1, s11;
	v2 =	vld [tilespmem:s18+$0xFFFFFFF0]  }
0x30: {  	s15 =	smul.u32 $0x8100, s30;
	s14 =	sshrl.u32 s14, $0x2;
	v0 =	vld [tilespmem:s18+$0x0]  }
0x31: {  	v1 =	vld [tilespmem:s18+$0xFFFFFFE0];
	s16 =	sor.u32 $0x4000, s14  }
0x32: {  	s31 =	sshrl.u32 s15, $0x2;
	s15 =	sadd.s32 $0x0, s16  }
0x33: {  	s17 =	simm.s32 $0x4;
	s18 =	sadd.s32 $0x40, s18;
	s14 =	sor.u32 $0x4000, s31;
	[tilespmem:s15+$0x1830 ss:$0x81] =	vst.msk $0xffff, v3  }
.LBB1_3:
0x34: {  	v3 =	vld [tilespmem:s18+$0x10];
	p1 =	sne.s32 s17, $0x1FC;
	[tilespmem:s15+$0x810 ss:$0x81] =	vst.msk $0xffff, v2;
	s19 =	smov.u32 s17;
	s17 =	sadd.s32 $0x4, s17  }
.Ltmp3:
0x35: {  	v2 =	vld [tilespmem:s18+$0xFFFFFFF0];
	[tilespmem:s15+$0x1020 ss:$0x81] =	vst.msk $0xffff, v0;
	(pc) =	sbr.rel @p1 .LBB1_3-.Ltmp3, $4  }
0x36: {  	v0 =	vld [tilespmem:s18+$0x0];
	[tilespmem:s15+$0x0 ss:$0x81] =	vst.msk $0xffff, v1  }
0x37: {  	s15 =	sshra.s32 s19, $0x2;
	v1 =	vld [tilespmem:s18+$0xFFFFFFE0]  }
0x38: {  	s15 =	sadd.s32 s15, s16  }
0x39: {  	s18 =	sadd.s32 $0x40, s18;
	[tilespmem:s15+$0x1830 ss:$0x81] =	vst.msk $0xffff, v3  }
.Ltmp4:
0x3a: {  	_ = 	snop;
	(pc) =	sbr.rel .LBB1_4-.Ltmp4, $1  }
0x3b: {  	_ =	sdelay $0x3  }
.LBB1_6:
0x3c: {  	_ =	sfence.sel $0x180000  }
0x3d: {  	s2 =	simm.s32 $0x1;
	[bflag:$0x0] =	sbarrier.arrive $0xFFFF  }
0x3e: {  	s31 =	simm.s32 $0x2;
	[sflag:s2] =	ssyncpa.u1 $0x1  }
0x3f: {  	[sflag:s31] =	ssyncpa.u1 $0x1  }
0x40: {  	p0 =	sne.s32 s0, $0x0;
	_ =	strace $0x9000004A  }
0x41: {  	s0 =	sadd.s32 @!p0 $0x100000, s1;
	[bflag:$0x2] =	sbarrier.arrive $0xFFFF  }
0x42: {  	[sflag:s0] =	ssyncadd.tile.s32 @!p0 $0x1;
	_ =	shalt  }
.Lfunc_end1:
_tile_overlayer_lowered:
.L_overlay_start_2:
0x43: {  	(tag) =	ssettag $0x2  }
0x44: {  	s0 =	rddreg [dreg:$0x0];
	s2 =	stileid.u32  }
0x45: {  	s1 =	rddreg [dreg:$0x1];
	p0 =	sne.s32 s2, $0x0  }
0x46: {  	s3 =	rddreg [dreg:$0x2];
	[bflag:$0x3] =	sbarrier.arrive $0xFFFF;
	s2 =	simm.s32 @!p0 $0x1C01  }
0x47: {  	[timem:s3], [sflag:s2] =	dma.local @!p0 [hbm:s0], s1  }
0x48: {  	s0 =	simm.s32 @!p0 $0x1  }
0x49: {  	_ =	swait.ge @!p0 [sflag:s0], s1  }
0x4a: {  	s1 =	ssub.s32 @!p0 $0x0, s1;
	[sflag:s0] =	ssyncset.done @!p0 $0x0  }
0x4b: {  	[sflag:s0] =	ssyncadd.s32 @!p0 s1  }
0x4c: {  	[bflag:$0x3] =	sbarrier.arrive $0xFFFF  }
0x4d: {  	_ =	shalt  }

</sc_bundles>
